<compile_context>
chip_gen: v7x
topology: tpu7x:2x2x1
jax: 0.10.2.dev20260603
libtpu: 0.0.44.dev20260713+nightly
codegen_flags: <defaults>
</compile_context>

<pallas_src>
import jax
import jax.numpy as jnp
from jax import lax
from jax.experimental import pallas as pl
from jax.experimental.pallas import tpu as pltpu
from jax.experimental.pallas import tpu_sc as plsc

N = 10000
C = 128
CP = C // 2
K = 27
EPS = 1e-5
JB = 128
NPAD = 10240
NBLK = NPAD // JB
TPAD = 10240
ZROW = N
ROWS_PER_TILE = TPAD // 16


def _sc_gather_body(feats_hbm, nbr_hbm, g_hbm, ftab):
    s = lax.axis_index("s")
    pltpu.sync_copy(feats_hbm.at[pl.ds(s * ROWS_PER_TILE, ROWS_PER_TILE)],
                    ftab.at[pl.ds(s * ROWS_PER_TILE, ROWS_PER_TILE)])
    plsc.subcore_barrier()

    def body(i_vmem, o_vmem):
        for c in range(0, JB, 16):
            v = i_vmem[pl.ds(c, 16)]
            i_vmem[pl.ds(c, 16)] = jnp.where(v >= 0, v, ZROW)

        pltpu.sync_copy(ftab.at[i_vmem], o_vmem)

    pltpu.emit_pipeline(
        body,
        grid=(K * NBLK,),
        in_specs=[pl.BlockSpec((JB,), lambda i: (i,))],
        out_specs=[pl.BlockSpec((JB, CP), lambda i: (i, 0))],
        core_axis_name=("c", "s"),
        dimension_semantics=(pltpu.PARALLEL,),
    )(nbr_hbm, g_hbm)


def _sc_gather(feats_packed, nbr_flat):
    mesh = plsc.VectorSubcoreMesh(core_axis_name="c", subcore_axis_name="s")
    f = pl.kernel(
        _sc_gather_body,
        out_type=jax.ShapeDtypeStruct((K * NPAD, CP), jnp.int32),
        mesh=mesh,
        scratch_types=[pltpu.VMEM_SHARED((TPAD, CP), jnp.int32)],
        compiler_params=pltpu.CompilerParams(use_tc_tiling_on_sc=False),
    )
    return f(feats_packed, nbr_flat)


def _tc_body(g_ref, we_ref, wo_ref, gamma_ref, beta_ref, o_ref, acc_ref):
    k = pl.program_id(0)

    @pl.when(k == 0)
    def _():
        acc_ref[...] = jnp.zeros_like(acc_ref)

    x = g_ref[0]
    ge = lax.bitcast_convert_type(
        lax.shift_left(x, 16), jnp.float32).astype(jnp.bfloat16)
    go = lax.bitcast_convert_type(
        lax.bitwise_and(x, jnp.int32(-65536)), jnp.float32
    ).astype(jnp.bfloat16)
    dn = (((1,), (0,)), ((), ()))
    acc_ref[...] += (
        lax.dot_general(ge, we_ref[0].astype(jnp.bfloat16), dn,
                        preferred_element_type=jnp.float32)
        + lax.dot_general(go, wo_ref[0].astype(jnp.bfloat16), dn,
                          preferred_element_type=jnp.float32))

    @pl.when(k == K - 1)
    def _():
        xx = acc_ref[...]
        row = lax.broadcasted_iota(jnp.int32, (NPAD, 1), 0)
        m = (row < N).astype(jnp.float32)
        xm = xx * m
        mean = jnp.sum(xm, axis=0, keepdims=True) / N
        var = jnp.sum(xm * xm, axis=0, keepdims=True) / N - mean * mean
        y = (xx - mean) * lax.rsqrt(var + EPS) * gamma_ref[...] + beta_ref[...]
        y = y * 0.5 * (1.0 + lax.erf(y * 0.7071067811865476))
        o_ref[...] = y[:N]


def kernel(feats, nbr_idx, W, gamma, beta):
    feats_packed = lax.bitcast_convert_type(
        jnp.pad(feats.astype(jnp.bfloat16), ((0, TPAD - N), (0, 0)))
        .reshape(TPAD, CP, 2),
        jnp.int32)
    nbr_flat = jnp.pad(nbr_idx, ((0, 0), (0, NPAD - N)),
                       constant_values=-1).reshape(-1)
    g = _sc_gather(feats_packed, nbr_flat).reshape(K, NPAD, CP)
    w_even = W[:, 0::2, :]
    w_odd = W[:, 1::2, :]
    out = pl.pallas_call(
        _tc_body,
        grid=(K,),
        in_specs=[
            pl.BlockSpec((1, NPAD, CP), lambda k: (k, 0, 0)),
            pl.BlockSpec((1, CP, C), lambda k: (k, 0, 0)),
            pl.BlockSpec((1, CP, C), lambda k: (k, 0, 0)),
            pl.BlockSpec((1, C), lambda k: (0, 0)),
            pl.BlockSpec((1, C), lambda k: (0, 0)),
        ],
        out_specs=pl.BlockSpec((N, C), lambda k: (0, 0)),
        out_shape=jax.ShapeDtypeStruct((N, C), jnp.float32),
        scratch_shapes=[pltpu.VMEM((NPAD, C), jnp.float32)],
    )(g, w_even, w_odd, gamma.reshape(1, C), beta.reshape(1, C))
    return out

# --- scband reference (transcript-rebuilt; emitter-appended) ---
"""Pipeline reference for scband-sparse-conv-block-85220741087711 (READ-ONLY COPY).

The authoritative reference and input builder live on the scoring server;
editing this copy changes nothing except your own understanding.
"""

import jax, jax.numpy as jnp
import numpy as np

N = 10000
C_IN = 128
C_OUT = 128
GRID = 32
BATCH = 2
K = 27  # 3x3x3 kernel offsets
EPS = 1e-5


def _build_coords_and_kernel_map():
    rng = np.random.default_rng(0)
    # unique sparse voxel coordinates: (batch, x, y, z)
    lin = rng.choice(BATCH * GRID ** 3, size=N, replace=False)
    b = lin // (GRID ** 3)
    rem = lin % (GRID ** 3)
    x = rem // (GRID ** 2)
    y = (rem // GRID) % GRID
    z = rem % GRID
    coords = np.stack([b, x, y, z], axis=1).astype(np.int64)
    table = {tuple(c): i for i, c in enumerate(coords)}
    offsets = [(dx, dy, dz) for dx in (-1, 0, 1) for dy in (-1, 0, 1) for dz in (-1, 0, 1)]
    nbr = np.full((K, N), -1, dtype=np.int32)
    for k, (dx, dy, dz) in enumerate(offsets):
        for j in range(N):
            key = (coords[j, 0], coords[j, 1] + dx, coords[j, 2] + dy, coords[j, 3] + dz)
            idx = table.get(key, -1)
            nbr[k, j] = idx
    return coords, nbr


def setup_inputs(seed: int = 0) -> dict:
    _, nbr = _build_coords_and_kernel_map()
    key = jax.random.key(seed)
    k1, k2 = jax.random.split(key, 2)
    feats = jax.random.normal(k1, (N, C_IN), dtype=jnp.float32)
    # per-kernel-offset weight matrices (Minkowski conv kernel), Kaiming-ish scale
    W = jax.random.normal(k2, (K, C_IN, C_OUT), dtype=jnp.float32) * (1.0 / np.sqrt(K * C_IN))
    gamma = jnp.ones((C_OUT,), dtype=jnp.float32)
    beta = jnp.zeros((C_OUT,), dtype=jnp.float32)
    return {"feats": feats, "nbr_idx": jnp.asarray(nbr), "W": W, "gamma": gamma, "beta": beta}


def reference(feats, nbr_idx, W, gamma, beta):
    # Sparse 3D convolution (stride 1 -> out coords == in coords):
    # out[j] = sum_k W[k]^T @ feats[nbr_idx[k, j]] where nbr exists
    mask = nbr_idx >= 0  # [K, N]
    safe = jnp.where(mask, nbr_idx, 0)
    gathered = jnp.take(feats, safe, axis=0)  # [K, N, C_IN] gather
    gathered = jnp.where(mask[..., None], gathered, 0.0)
    out = jnp.einsum('knc,kcd->nd', gathered, W)  # [N, C_OUT]
    # MinkowskiBatchNorm over all points (biased variance, train-mode stats)
    mean = jnp.mean(out, axis=0)
    var = jnp.var(out, axis=0)
    out = (out - mean) / jnp.sqrt(var + EPS) * gamma + beta
    # MinkowskiGELU == exact (erf-based) GELU
    out = jax.nn.gelu(out, approximate=False)
    return out

if __name__ == "__main__":
    import jax
    _d = setup_inputs()
    print(jax.jit(kernel)(*tuple(_d.values())))

</pallas_src>

<mosaic_0001>
#map = affine_map<(d0, d1) -> (0, 0)>
#map1 = affine_map<(d0, d1) -> (0)>
module attributes {stable_mosaic.version = 14 : i64} {
  func.func @_sc_gather_body(%arg0: i32, %arg1: i32, %arg2: memref<10240x64xi32, #tpu.memory_space<hbm>>, %arg3: memref<276480xi32, #tpu.memory_space<hbm>>, %arg4: memref<276480x64xi32, #tpu.memory_space<hbm>>, %arg5: memref<10240x64xi32, #tpu.memory_space<vmem_shared>>) attributes {dimension_semantics = [#tpu.dimension_semantics<core_parallel>, #tpu.dimension_semantics<subcore_parallel>], iteration_bounds = array<i64: 2, 16>, scalar_prefetch = 0 : i64, scratch_operands = 1 : i64, tpu.core_type = #tpu.core_type<sc_vector_subcore>, window_params = [{transform_indices = #map}, {transform_indices = #map1}, {transform_indices = #map}]} {
    %mul3A = arith.constant 640 : i32
    %mul3A_0 = arith.muli %arg1, %mul3A : i32
    %mul3A_1 = arith.constant 640 : i32
    %mul3A_2 = arith.muli %arg1, %mul3A_1 : i32
    "tpu.region"() ({
      %run_scoped3A = tpu.sem_alloc : memref<!tpu.dma_semaphore, #tpu.memory_space<semaphore_mem>>
      %dma_start3A = arith.constant 0 : i32
      %dma_start3A_21 = tpu.memref_slice %arg5[%mul3A_2, %dma_start3A] : memref<10240x64xi32, #tpu.memory_space<vmem_shared>> -> memref<640x64xi32, #tpu.memory_space<vmem_shared>>
      %dma_start3A_22 = arith.constant 0 : i32
      %dma_start3A_23 = tpu.memref_slice %arg2[%mul3A_0, %dma_start3A_22] : memref<10240x64xi32, #tpu.memory_space<hbm>> -> memref<640x64xi32, #tpu.memory_space<hbm>>
      tpu.enqueue_dma source(%dma_start3A_23 : memref<640x64xi32, #tpu.memory_space<hbm>>) target(%dma_start3A_21 : memref<640x64xi32, #tpu.memory_space<vmem_shared>>) target_semaphore(%run_scoped3A : memref<!tpu.dma_semaphore, #tpu.memory_space<semaphore_mem>>)
      %dma_wait3A = arith.constant 0 : i32
      %dma_wait3A_24 = tpu.memref_slice %arg5[%mul3A_2, %dma_wait3A] : memref<10240x64xi32, #tpu.memory_space<vmem_shared>> -> memref<640x64xi32, #tpu.memory_space<vmem_shared>>
      %dma_wait3A_25 = arith.constant 0 : i32
      %dma_wait3A_26 = tpu.memref_slice %arg2[%mul3A_0, %dma_wait3A_25] : memref<10240x64xi32, #tpu.memory_space<hbm>> -> memref<640x64xi32, #tpu.memory_space<hbm>>
      tpu.wait_dma2 semaphore(%run_scoped3A : memref<!tpu.dma_semaphore, #tpu.memory_space<semaphore_mem>>) src(%dma_wait3A_26 : memref<640x64xi32, #tpu.memory_space<hbm>>) dst(%dma_wait3A_24 : memref<640x64xi32, #tpu.memory_space<vmem_shared>>)
      tpu.yield
    }) : () -> ()
    %barrier3A = arith.constant 0 : index
    tpu.barrier barrier_id(%barrier3A)
    %mul3A_3 = arith.constant 1 : i32
    %mul3A_4 = arith.muli %arg1, %mul3A_3 : i32
    %add3A = arith.constant 0 : i32
    %add3A_5 = arith.addi %add3A, %mul3A_4 : i32
    %mul3A_6 = arith.constant 16 : i32
    %mul3A_7 = arith.muli %arg0, %mul3A_6 : i32
    %add3A_8 = arith.addi %add3A_5, %mul3A_7 : i32
    %lt3A = arith.constant 16 : i32
    %lt3A_9 = arith.cmpi slt, %add3A_8, %lt3A : i32
    %jit3A = arith.constant 68 : i32
    %jit3A_10 = arith.constant 67 : i32
    %select_n3A = arith.select %lt3A_9, %jit3A, %jit3A_10 : i32
    %lt3A_11 = arith.constant 16 : i32
    %lt3A_12 = arith.cmpi slt, %add3A_8, %lt3A_11 : i32
    %mul3A_13 = arith.muli %add3A_8, %select_n3A : i32
    %mul3A_14 = arith.constant 67 : i32
    %mul3A_15 = arith.muli %add3A_8, %mul3A_14 : i32
    %add3A_16 = arith.constant 16 : i32
    %add3A_17 = arith.addi %mul3A_15, %add3A_16 : i32
    %select_n3A_18 = arith.select %lt3A_12, %mul3A_13, %add3A_17 : i32
    %mul3A_19 = arith.constant 1 : i32
    %mul3A_20 = arith.muli %mul3A_19, %select_n3A : i32
    "tpu.region"() ({
      %run_scoped3A = memref.alloca() : memref<256xi32, #tpu.memory_space<vmem>>
      %run_scoped3A_21 = tpu.sem_alloc : memref<2x!tpu.dma_semaphore, #tpu.memory_space<semaphore_mem>>
      %run_scoped3A_22 = memref.alloca() : memref<2x128x64xi32, #tpu.memory_space<vmem>>
      %run_scoped3A_23 = tpu.sem_alloc : memref<2x!tpu.dma_semaphore, #tpu.memory_space<semaphore_mem>>
      %gt3A = arith.constant 0 : i32
      %gt3A_24 = arith.cmpi sgt, %mul3A_20, %gt3A : i32
      %convert_element_type3A = arith.extui %gt3A_24 : i1 to i32
      %cond3A = arith.constant 0 : i32
      %cond3A_25 = arith.cmpi ne, %convert_element_type3A, %cond3A : i32
      scf.if %cond3A_25 {
        %mul3A_26 = arith.constant 1 : i32
        %mul3A_27 = arith.muli %mul3A_26, %select_n3A : i32
        %sub3A = arith.constant 1 : i32
        %sub3A_28 = arith.subi %mul3A_27, %sub3A : i32
        %eq3A = arith.constant 0 : i32
        %eq3A_29 = arith.cmpi eq, %sub3A_28, %eq3A : i32
        %add3A_30 = arith.constant 0 : i32
        %add3A_31 = arith.addi %add3A_30, %select_n3A_18 : i32
        %select_n3A_32 = arith.constant true
        %select_n3A_33 = arith.constant 0 : i32
        %select_n3A_34 = arith.constant -1 : i32
        %select_n3A_35 = arith.select %select_n3A_32, %select_n3A_34, %select_n3A_33 : i32
        %eq3A_36 = arith.constant -1 : i32
        %eq3A_37 = arith.cmpi eq, %select_n3A_35, %eq3A_36 : i32
        %sub3A_38 = arith.constant 1 : i32
        %sub3A_39 = arith.subi %select_n3A, %sub3A_38 : i32
        %select_n3A_40 = arith.select %eq3A_37, %sub3A_39, %select_n3A_35 : i32
        %add3A_41 = arith.addi %select_n3A_40, %select_n3A_18 : i32
        %select_n3A_42 = arith.constant true
        %select_n3A_43 = arith.constant 0 : i32
        %select_n3A_44 = arith.constant 1 : i32
        %select_n3A_45 = arith.select %select_n3A_42, %select_n3A_44, %select_n3A_43 : i32
        %eq3A_46 = arith.cmpi eq, %select_n3A_45, %select_n3A : i32
        %select_n3A_47 = arith.constant 0 : i32
        %select_n3A_48 = arith.select %eq3A_46, %select_n3A_47, %select_n3A_45 : i32
        %add3A_49 = arith.addi %select_n3A_48, %select_n3A_18 : i32
        %add3A_50 = arith.constant 1 : i32
        %add3A_51 = arith.addi %select_n3A_48, %add3A_50 : i32
        %select_n3A_52 = arith.constant true
        %select_n3A_53 = arith.select %select_n3A_52, %add3A_51, %select_n3A_48 : i32
        %eq3A_54 = arith.cmpi eq, %select_n3A_53, %select_n3A : i32
        %select_n3A_55 = arith.constant 0 : i32
        %select_n3A_56 = arith.select %eq3A_54, %select_n3A_55, %select_n3A_53 : i32
        %add3A_57 = arith.addi %select_n3A_56, %select_n3A_18 : i32
        "tpu.trace_start"() <{level = 10 : i32, message = "ep_initialize_0"}> : () -> ()
        %rem3A = arith.constant 0 : i32
        %rem3A_58 = arith.constant 2 : i32
        %rem3A_59 = arith.remui %rem3A, %rem3A_58 : i32
        %mul3A_60 = arith.constant 128 : i32
        %mul3A_61 = arith.muli %mul3A_60, %add3A_31 : i32
        %mul3A_62 = arith.constant 128 : i32
        %mul3A_63 = arith.muli %rem3A_59, %mul3A_62 : i32
        %add3A_64 = arith.constant 0 : i32
        %add3A_65 = arith.addi %mul3A_63, %add3A_64 : i32
        %dma_start3A = tpu.memref_slice %run_scoped3A[%add3A_65] : memref<256xi32, #tpu.memory_space<vmem>> -> memref<128xi32, #tpu.memory_space<vmem>>
        %dma_start3A_66 = tpu.memref_slice %arg3[%mul3A_61] : memref<276480xi32, #tpu.memory_space<hbm>> -> memref<128xi32, #tpu.memory_space<hbm>>
        %dma_start3A_67 = tpu.memref_slice %run_scoped3A_21[%rem3A_59] : memref<2x!tpu.dma_semaphore, #tpu.memory_space<semaphore_mem>> -> memref<1x!tpu.dma_semaphore, #tpu.memory_space<semaphore_mem>>
        %dma_start3A_68 = tpu.memref_squeeze %dma_start3A_67 : memref<1x!tpu.dma_semaphore, #tpu.memory_space<semaphore_mem>> -> memref<!tpu.dma_semaphore, #tpu.memory_space<semaphore_mem>>
        %dma_start3A_69 = tpu.memref_slice %run_scoped3A[%add3A_65] : memref<256xi32, #tpu.memory_space<vmem>> -> memref<128xi32, #tpu.memory_space<vmem>>
        %dma_start3A_70 = tpu.memref_slice %arg3[%mul3A_61] : memref<276480xi32, #tpu.memory_space<hbm>> -> memref<128xi32, #tpu.memory_space<hbm>>
        tpu.enqueue_dma source(%dma_start3A_70 : memref<128xi32, #tpu.memory_space<hbm>>) target(%dma_start3A_69 : memref<128xi32, #tpu.memory_space<vmem>>) target_semaphore(%dma_start3A_68 : memref<!tpu.dma_semaphore, #tpu.memory_space<semaphore_mem>>)
        %add3A_71 = arith.constant 0 : i32
        %add3A_72 = arith.constant 1 : i32
        %add3A_73 = arith.addi %add3A_71, %add3A_72 : i32
        %select_n3A_74 = arith.constant true
        %select_n3A_75 = arith.constant 0 : i32
        %select_n3A_76 = arith.select %select_n3A_74, %add3A_73, %select_n3A_75 : i32
        %while3A = arith.constant 0 : i32
        %while3A_77 = arith.constant 0 : i32
        %while3A_78 = arith.constant 0 : i32
        %while3A_79 = arith.constant 0 : i32
        %while3A_80 = arith.constant 0 : i32
        "tpu.trace_stop"() : () -> ()
        %while3A_81 = arith.subi %mul3A_20, %while3A : i32
        %while3A_82 = arith.addi %while3A, %while3A_81 : i32
        %while3A_83 = arith.constant 1 : i32
        %while3A_84 = arith.divsi %while3A_81, %while3A_83 : i32
        %while3A_85 = arith.muli %while3A_84, %while3A_83 : i32
        %while3A_86 = arith.addi %while3A, %while3A_85 : i32
        %while3A_87 = arith.constant 1 : i32
        %while3A_88:5 = scf.for %while3A_142 = %while3A to %while3A_86 step %while3A_87 iter_args(%while3A_143 = %select_n3A_76, %while3A_144 = %while3A_77, %while3A_145 = %while3A_78, %while3A_146 = %while3A_79, %while3A_147 = %while3A_80) -> (i32, i32, i32, i32, i32)  : i32 {
          %mul3A_148 = arith.constant 1 : i32
          %mul3A_149 = arith.muli %mul3A_148, %select_n3A : i32
          %eq3A_150 = arith.constant 0 : i32
          %eq3A_151 = arith.cmpi eq, %while3A_142, %eq3A_150 : i32
          %sub3A_152 = arith.constant 1 : i32
          %sub3A_153 = arith.subi %mul3A_149, %sub3A_152 : i32
          %eq3A_154 = arith.cmpi eq, %while3A_142, %sub3A_153 : i32
          %add3A_155 = arith.addi %while3A_147, %select_n3A_18 : i32
          %sub3A_156 = arith.constant 1 : i32
          %sub3A_157 = arith.subi %while3A_147, %sub3A_156 : i32
          %select_n3A_158 = arith.constant true
          %select_n3A_159 = arith.select %select_n3A_158, %sub3A_157, %while3A_147 : i32
          %eq3A_160 = arith.constant -1 : i32
          %eq3A_161 = arith.cmpi eq, %select_n3A_159, %eq3A_160 : i32
          %sub3A_162 = arith.constant 1 : i32
          %sub3A_163 = arith.subi %select_n3A, %sub3A_162 : i32
          %select_n3A_164 = arith.select %eq3A_161, %sub3A_163, %select_n3A_159 : i32
          %add3A_165 = arith.addi %select_n3A_164, %select_n3A_18 : i32
          %add3A_166 = arith.constant 1 : i32
          %add3A_167 = arith.addi %while3A_147, %add3A_166 : i32
          %select_n3A_168 = arith.constant true
          %select_n3A_169 = arith.select %select_n3A_168, %add3A_167, %while3A_147 : i32
          %eq3A_170 = arith.cmpi eq, %select_n3A_169, %select_n3A : i32
          %select_n3A_171 = arith.constant 0 : i32
          %select_n3A_172 = arith.select %eq3A_170, %select_n3A_171, %select_n3A_169 : i32
          %add3A_173 = arith.addi %select_n3A_172, %select_n3A_18 : i32
          %add3A_174 = arith.constant 1 : i32
          %add3A_175 = arith.addi %select_n3A_172, %add3A_174 : i32
          %select_n3A_176 = arith.constant true
          %select_n3A_177 = arith.select %select_n3A_176, %add3A_175, %select_n3A_172 : i32
          %eq3A_178 = arith.cmpi eq, %select_n3A_177, %select_n3A : i32
          %select_n3A_179 = arith.constant 0 : i32
          %select_n3A_180 = arith.select %eq3A_178, %select_n3A_179, %select_n3A_177 : i32
          %add3A_181 = arith.addi %select_n3A_180, %select_n3A_18 : i32
          %ne3A = arith.cmpi ne, %add3A_155, %add3A_173 : i32
          %or3A = arith.constant false
          %or3A_182 = arith.ori %or3A, %ne3A : i1
          %sub3A_183 = arith.constant 2 : i32
          %sub3A_184 = arith.subi %mul3A_149, %sub3A_183 : i32
          %add3A_185 = arith.constant 1 : i32
          %add3A_186 = arith.addi %sub3A_184, %add3A_185 : i32
          %ge3A = arith.cmpi sge, %while3A_142, %add3A_186 : i32
          %not3A = arith.constant true
          %not3A_187 = arith.xori %ge3A, %not3A : i1
          %and3A = arith.andi %or3A_182, %not3A_187 : i1
          %convert_element_type3A_188 = arith.extui %and3A : i1 to i32
          %cond3A_189 = arith.constant 0 : i32
          %cond3A_190 = arith.cmpi ne, %convert_element_type3A_188, %cond3A_189 : i32
          scf.if %cond3A_190 {
            "tpu.trace_start"() <{level = 10 : i32, message = "ep_copy_in"}> : () -> ()
            %rem3A_412 = arith.constant 2 : i32
            %rem3A_413 = arith.remui %while3A_143, %rem3A_412 : i32
            %mul3A_414 = arith.constant 128 : i32
            %mul3A_415 = arith.muli %mul3A_414, %add3A_173 : i32
            %mul3A_416 = arith.constant 128 : i32
            %mul3A_417 = arith.muli %rem3A_413, %mul3A_416 : i32
            %add3A_418 = arith.constant 0 : i32
            %add3A_419 = arith.addi %mul3A_417, %add3A_418 : i32
            %dma_start3A_420 = tpu.memref_slice %run_scoped3A[%add3A_419] : memref<256xi32, #tpu.memory_space<vmem>> -> memref<128xi32, #tpu.memory_space<vmem>>
            %dma_start3A_421 = tpu.memref_slice %arg3[%mul3A_415] : memref<276480xi32, #tpu.memory_space<hbm>> -> memref<128xi32, #tpu.memory_space<hbm>>
            %dma_start3A_422 = tpu.memref_slice %run_scoped3A_21[%rem3A_413] : memref<2x!tpu.dma_semaphore, #tpu.memory_space<semaphore_mem>> -> memref<1x!tpu.dma_semaphore, #tpu.memory_space<semaphore_mem>>
            %dma_start3A_423 = tpu.memref_squeeze %dma_start3A_422 : memref<1x!tpu.dma_semaphore, #tpu.memory_space<semaphore_mem>> -> memref<!tpu.dma_semaphore, #tpu.memory_space<semaphore_mem>>
            %dma_start3A_424 = tpu.memref_slice %run_scoped3A[%add3A_419] : memref<256xi32, #tpu.memory_space<vmem>> -> memref<128xi32, #tpu.memory_space<vmem>>
            %dma_start3A_425 = tpu.memref_slice %arg3[%mul3A_415] : memref<276480xi32, #tpu.memory_space<hbm>> -> memref<128xi32, #tpu.memory_space<hbm>>
            tpu.enqueue_dma source(%dma_start3A_425 : memref<128xi32, #tpu.memory_space<hbm>>) target(%dma_start3A_424 : memref<128xi32, #tpu.memory_space<vmem>>) target_semaphore(%dma_start3A_423 : memref<!tpu.dma_semaphore, #tpu.memory_space<semaphore_mem>>)
            "tpu.trace_stop"() : () -> ()
          } else {
          }
          %and3A_191 = arith.constant true
          %and3A_192 = arith.andi %and3A, %and3A_191 : i1
          %add3A_193 = arith.constant 1 : i32
          %add3A_194 = arith.addi %while3A_143, %add3A_193 : i32
          %select_n3A_195 = arith.select %and3A_192, %add3A_194, %while3A_143 : i32
          %ne3A_196 = arith.cmpi ne, %add3A_155, %add3A_173 : i32
          %or3A_197 = arith.constant false
          %or3A_198 = arith.ori %or3A_197, %ne3A_196 : i1
          %or3A_199 = arith.constant false
          %or3A_200 = arith.ori %or3A_198, %or3A_199 : i1
          %sub3A_201 = arith.constant 2 : i32
          %sub3A_202 = arith.subi %mul3A_149, %sub3A_201 : i32
          %add3A_203 = arith.constant 1 : i32
          %add3A_204 = arith.addi %sub3A_202, %add3A_203 : i32
          %ge3A_205 = arith.cmpi sge, %while3A_142, %add3A_204 : i32
          %not3A_206 = arith.constant true
          %not3A_207 = arith.xori %ge3A_205, %not3A_206 : i1
          %and3A_208 = arith.andi %or3A_200, %not3A_207 : i1
          %ne3A_209 = arith.cmpi ne, %add3A_155, %add3A_165 : i32
          %or3A_210 = arith.constant false
          %or3A_211 = arith.ori %or3A_210, %ne3A_209 : i1
          %or3A_212 = arith.ori %or3A_211, %eq3A_151 : i1
          %convert_element_type3A_213 = arith.extui %or3A_212 : i1 to i32
          %cond3A_214 = arith.constant 0 : i32
          %cond3A_215 = arith.cmpi ne, %convert_element_type3A_213, %cond3A_214 : i32
          scf.if %cond3A_215 {
            "tpu.trace_start"() <{level = 10 : i32, message = "ep_wait_in"}> : () -> ()
            %mul3A_412 = arith.constant 128 : i32
            %mul3A_413 = arith.muli %mul3A_412, %add3A_155 : i32
            %rem3A_414 = arith.constant 2 : i32
            %rem3A_415 = arith.remui %while3A_144, %rem3A_414 : i32
            %mul3A_416 = arith.constant 128 : i32
            %mul3A_417 = arith.muli %rem3A_415, %mul3A_416 : i32
            %add3A_418 = arith.constant 0 : i32
            %add3A_419 = arith.addi %mul3A_417, %add3A_418 : i32
            %dma_wait3A = tpu.memref_slice %run_scoped3A[%add3A_419] : memref<256xi32, #tpu.memory_space<vmem>> -> memref<128xi32, #tpu.memory_space<vmem>>
            %dma_wait3A_420 = tpu.memref_slice %arg3[%mul3A_413] : memref<276480xi32, #tpu.memory_space<hbm>> -> memref<128xi32, #tpu.memory_space<hbm>>
            %dma_wait3A_421 = tpu.memref_slice %run_scoped3A_21[%rem3A_415] : memref<2x!tpu.dma_semaphore, #tpu.memory_space<semaphore_mem>> -> memref<1x!tpu.dma_semaphore, #tpu.memory_space<semaphore_mem>>
            %dma_wait3A_422 = tpu.memref_squeeze %dma_wait3A_421 : memref<1x!tpu.dma_semaphore, #tpu.memory_space<semaphore_mem>> -> memref<!tpu.dma_semaphore, #tpu.memory_space<semaphore_mem>>
            %dma_wait3A_423 = tpu.memref_slice %run_scoped3A[%add3A_419] : memref<256xi32, #tpu.memory_space<vmem>> -> memref<128xi32, #tpu.memory_space<vmem>>
            %dma_wait3A_424 = tpu.memref_slice %arg3[%mul3A_413] : memref<276480xi32, #tpu.memory_space<hbm>> -> memref<128xi32, #tpu.memory_space<hbm>>
            tpu.wait_dma2 semaphore(%dma_wait3A_422 : memref<!tpu.dma_semaphore, #tpu.memory_space<semaphore_mem>>) src(%dma_wait3A_424 : memref<128xi32, #tpu.memory_space<hbm>>) dst(%dma_wait3A_423 : memref<128xi32, #tpu.memory_space<vmem>>)
            "tpu.trace_stop"() : () -> ()
          } else {
          }
          %ne3A_216 = arith.cmpi ne, %add3A_155, %add3A_165 : i32
          %or3A_217 = arith.constant false
          %or3A_218 = arith.ori %or3A_217, %ne3A_216 : i1
          %or3A_219 = arith.constant false
          %or3A_220 = arith.ori %or3A_218, %or3A_219 : i1
          %or3A_221 = arith.ori %or3A_220, %eq3A_151 : i1
          %convert_element_type3A_222 = arith.extui %or3A_221 : i1 to i32
          %cond3A_223 = arith.constant 0 : i32
          %cond3A_224 = arith.cmpi ne, %convert_element_type3A_222, %cond3A_223 : i32
          scf.if %cond3A_224 {
          } else {
          }
          %rem3A_225 = arith.constant 2 : i32
          %rem3A_226 = arith.remui %while3A_144, %rem3A_225 : i32
          %mul3A_227 = arith.constant 128 : i32
          %mul3A_228 = arith.muli %rem3A_226, %mul3A_227 : i32
          %rem3A_229 = arith.constant 2 : i32
          %rem3A_230 = arith.remui %while3A_145, %rem3A_229 : i32
          "tpu.trace_start"() <{level = 10 : i32, message = "ep_run_kernel"}> : () -> ()
          %get3A = tpu.memref_slice %run_scoped3A[%mul3A_228] : memref<256xi32, #tpu.memory_space<vmem>> -> memref<128xi32, #tpu.memory_space<vmem>>
          %get3A_231 = arith.constant 0 : index
          %get3A_232 = tpu.vector_load %get3A[%get3A_231] {strides = array<i32>} : memref<128xi32, #tpu.memory_space<vmem>>, vector<16xi32>,
          %get3A_233 = vector.shape_cast %get3A_232 : vector<16xi32> to vector<16xi32>
          %ge3A_234 = arith.constant 0 : i32
          %ge3A_235 = vector.broadcast %ge3A_234 : i32 to vector<16xi32>
          %ge3A_236 = arith.cmpi sge, %get3A_233, %ge3A_235 : vector<16xi32>
          %jit3A_237 = arith.constant 10000 : i32
          %broadcast_in_dim3A = vector.broadcast %jit3A_237 : i32 to vector<16xi32>
          %select_n3A_238 = arith.select %ge3A_236, %get3A_233, %broadcast_in_dim3A : vector<16xi1>, vector<16xi32>
          %swap3A = tpu.memref_slice %run_scoped3A[%mul3A_228] : memref<256xi32, #tpu.memory_space<vmem>> -> memref<128xi32, #tpu.memory_space<vmem>>
          %swap3A_239 = arith.constant 0 : index
          %swap3A_240 = tpu.vector_load %swap3A[%swap3A_239] {strides = array<i32>} : memref<128xi32, #tpu.memory_space<vmem>>, vector<16xi32>,
          %swap3A_241 = vector.shape_cast %swap3A_240 : vector<16xi32> to vector<16xi32>
          %swap3A_242 = vector.shape_cast %select_n3A_238 : vector<16xi32> to vector<16xi32>
          tpu.vector_store %swap3A[%swap3A_239], %swap3A_242 {strides = array<i32>} : memref<128xi32, #tpu.memory_space<vmem>>, vector<16xi32>,
          %get3A_243 = tpu.memref_slice %run_scoped3A[%mul3A_228] : memref<256xi32, #tpu.memory_space<vmem>> -> memref<128xi32, #tpu.memory_space<vmem>>
          %get3A_244 = arith.constant 16 : index
          %get3A_245 = tpu.vector_load %get3A_243[%get3A_244] {strides = array<i32>} : memref<128xi32, #tpu.memory_space<vmem>>, vector<16xi32>,
          %get3A_246 = vector.shape_cast %get3A_245 : vector<16xi32> to vector<16xi32>
          %ge3A_247 = arith.constant 0 : i32
          %ge3A_248 = vector.broadcast %ge3A_247 : i32 to vector<16xi32>
          %ge3A_249 = arith.cmpi sge, %get3A_246, %ge3A_248 : vector<16xi32>
          %jit3A_250 = arith.constant 10000 : i32
          %broadcast_in_dim3A_251 = vector.broadcast %jit3A_250 : i32 to vector<16xi32>
          %select_n3A_252 = arith.select %ge3A_249, %get3A_246, %broadcast_in_dim3A_251 : vector<16xi1>, vector<16xi32>
          %swap3A_253 = tpu.memref_slice %run_scoped3A[%mul3A_228] : memref<256xi32, #tpu.memory_space<vmem>> -> memref<128xi32, #tpu.memory_space<vmem>>
          %swap3A_254 = arith.constant 16 : index
          %swap3A_255 = tpu.vector_load %swap3A_253[%swap3A_254] {strides = array<i32>} : memref<128xi32, #tpu.memory_space<vmem>>, vector<16xi32>,
          %swap3A_256 = vector.shape_cast %swap3A_255 : vector<16xi32> to vector<16xi32>
          %swap3A_257 = vector.shape_cast %select_n3A_252 : vector<16xi32> to vector<16xi32>
          tpu.vector_store %swap3A_253[%swap3A_254], %swap3A_257 {strides = array<i32>} : memref<128xi32, #tpu.memory_space<vmem>>, vector<16xi32>,
          %get3A_258 = tpu.memref_slice %run_scoped3A[%mul3A_228] : memref<256xi32, #tpu.memory_space<vmem>> -> memref<128xi32, #tpu.memory_space<vmem>>
          %get3A_259 = arith.constant 32 : index
          %get3A_260 = tpu.vector_load %get3A_258[%get3A_259] {strides = array<i32>} : memref<128xi32, #tpu.memory_space<vmem>>, vector<16xi32>,
          %get3A_261 = vector.shape_cast %get3A_260 : vector<16xi32> to vector<16xi32>
          %ge3A_262 = arith.constant 0 : i32
          %ge3A_263 = vector.broadcast %ge3A_262 : i32 to vector<16xi32>
          %ge3A_264 = arith.cmpi sge, %get3A_261, %ge3A_263 : vector<16xi32>
          %jit3A_265 = arith.constant 10000 : i32
          %broadcast_in_dim3A_266 = vector.broadcast %jit3A_265 : i32 to vector<16xi32>
          %select_n3A_267 = arith.select %ge3A_264, %get3A_261, %broadcast_in_dim3A_266 : vector<16xi1>, vector<16xi32>
          %swap3A_268 = tpu.memref_slice %run_scoped3A[%mul3A_228] : memref<256xi32, #tpu.memory_space<vmem>> -> memref<128xi32, #tpu.memory_space<vmem>>
          %swap3A_269 = arith.constant 32 : index
          %swap3A_270 = tpu.vector_load %swap3A_268[%swap3A_269] {strides = array<i32>} : memref<128xi32, #tpu.memory_space<vmem>>, vector<16xi32>,
          %swap3A_271 = vector.shape_cast %swap3A_270 : vector<16xi32> to vector<16xi32>
          %swap3A_272 = vector.shape_cast %select_n3A_267 : vector<16xi32> to vector<16xi32>
          tpu.vector_store %swap3A_268[%swap3A_269], %swap3A_272 {strides = array<i32>} : memref<128xi32, #tpu.memory_space<vmem>>, vector<16xi32>,
          %get3A_273 = tpu.memref_slice %run_scoped3A[%mul3A_228] : memref<256xi32, #tpu.memory_space<vmem>> -> memref<128xi32, #tpu.memory_space<vmem>>
          %get3A_274 = arith.constant 48 : index
          %get3A_275 = tpu.vector_load %get3A_273[%get3A_274] {strides = array<i32>} : memref<128xi32, #tpu.memory_space<vmem>>, vector<16xi32>,
          %get3A_276 = vector.shape_cast %get3A_275 : vector<16xi32> to vector<16xi32>
          %ge3A_277 = arith.constant 0 : i32
          %ge3A_278 = vector.broadcast %ge3A_277 : i32 to vector<16xi32>
          %ge3A_279 = arith.cmpi sge, %get3A_276, %ge3A_278 : vector<16xi32>
          %jit3A_280 = arith.constant 10000 : i32
          %broadcast_in_dim3A_281 = vector.broadcast %jit3A_280 : i32 to vector<16xi32>
          %select_n3A_282 = arith.select %ge3A_279, %get3A_276, %broadcast_in_dim3A_281 : vector<16xi1>, vector<16xi32>
          %swap3A_283 = tpu.memref_slice %run_scoped3A[%mul3A_228] : memref<256xi32, #tpu.memory_space<vmem>> -> memref<128xi32, #tpu.memory_space<vmem>>
          %swap3A_284 = arith.constant 48 : index
          %swap3A_285 = tpu.vector_load %swap3A_283[%swap3A_284] {strides = array<i32>} : memref<128xi32, #tpu.memory_space<vmem>>, vector<16xi32>,
          %swap3A_286 = vector.shape_cast %swap3A_285 : vector<16xi32> to vector<16xi32>
          %swap3A_287 = vector.shape_cast %select_n3A_282 : vector<16xi32> to vector<16xi32>
          tpu.vector_store %swap3A_283[%swap3A_284], %swap3A_287 {strides = array<i32>} : memref<128xi32, #tpu.memory_space<vmem>>, vector<16xi32>,
          %get3A_288 = tpu.memref_slice %run_scoped3A[%mul3A_228] : memref<256xi32, #tpu.memory_space<vmem>> -> memref<128xi32, #tpu.memory_space<vmem>>
          %get3A_289 = arith.constant 64 : index
          %get3A_290 = tpu.vector_load %get3A_288[%get3A_289] {strides = array<i32>} : memref<128xi32, #tpu.memory_space<vmem>>, vector<16xi32>,
          %get3A_291 = vector.shape_cast %get3A_290 : vector<16xi32> to vector<16xi32>
          %ge3A_292 = arith.constant 0 : i32
          %ge3A_293 = vector.broadcast %ge3A_292 : i32 to vector<16xi32>
          %ge3A_294 = arith.cmpi sge, %get3A_291, %ge3A_293 : vector<16xi32>
          %jit3A_295 = arith.constant 10000 : i32
          %broadcast_in_dim3A_296 = vector.broadcast %jit3A_295 : i32 to vector<16xi32>
          %select_n3A_297 = arith.select %ge3A_294, %get3A_291, %broadcast_in_dim3A_296 : vector<16xi1>, vector<16xi32>
          %swap3A_298 = tpu.memref_slice %run_scoped3A[%mul3A_228] : memref<256xi32, #tpu.memory_space<vmem>> -> memref<128xi32, #tpu.memory_space<vmem>>
          %swap3A_299 = arith.constant 64 : index
          %swap3A_300 = tpu.vector_load %swap3A_298[%swap3A_299] {strides = array<i32>} : memref<128xi32, #tpu.memory_space<vmem>>, vector<16xi32>,
          %swap3A_301 = vector.shape_cast %swap3A_300 : vector<16xi32> to vector<16xi32>
          %swap3A_302 = vector.shape_cast %select_n3A_297 : vector<16xi32> to vector<16xi32>
          tpu.vector_store %swap3A_298[%swap3A_299], %swap3A_302 {strides = array<i32>} : memref<128xi32, #tpu.memory_space<vmem>>, vector<16xi32>,
          %get3A_303 = tpu.memref_slice %run_scoped3A[%mul3A_228] : memref<256xi32, #tpu.memory_space<vmem>> -> memref<128xi32, #tpu.memory_space<vmem>>
          %get3A_304 = arith.constant 80 : index
          %get3A_305 = tpu.vector_load %get3A_303[%get3A_304] {strides = array<i32>} : memref<128xi32, #tpu.memory_space<vmem>>, vector<16xi32>,
          %get3A_306 = vector.shape_cast %get3A_305 : vector<16xi32> to vector<16xi32>
          %ge3A_307 = arith.constant 0 : i32
          %ge3A_308 = vector.broadcast %ge3A_307 : i32 to vector<16xi32>
          %ge3A_309 = arith.cmpi sge, %get3A_306, %ge3A_308 : vector<16xi32>
          %jit3A_310 = arith.constant 10000 : i32
          %broadcast_in_dim3A_311 = vector.broadcast %jit3A_310 : i32 to vector<16xi32>
          %select_n3A_312 = arith.select %ge3A_309, %get3A_306, %broadcast_in_dim3A_311 : vector<16xi1>, vector<16xi32>
          %swap3A_313 = tpu.memref_slice %run_scoped3A[%mul3A_228] : memref<256xi32, #tpu.memory_space<vmem>> -> memref<128xi32, #tpu.memory_space<vmem>>
          %swap3A_314 = arith.constant 80 : index
          %swap3A_315 = tpu.vector_load %swap3A_313[%swap3A_314] {strides = array<i32>} : memref<128xi32, #tpu.memory_space<vmem>>, vector<16xi32>,
          %swap3A_316 = vector.shape_cast %swap3A_315 : vector<16xi32> to vector<16xi32>
          %swap3A_317 = vector.shape_cast %select_n3A_312 : vector<16xi32> to vector<16xi32>
          tpu.vector_store %swap3A_313[%swap3A_314], %swap3A_317 {strides = array<i32>} : memref<128xi32, #tpu.memory_space<vmem>>, vector<16xi32>,
          %get3A_318 = tpu.memref_slice %run_scoped3A[%mul3A_228] : memref<256xi32, #tpu.memory_space<vmem>> -> memref<128xi32, #tpu.memory_space<vmem>>
          %get3A_319 = arith.constant 96 : index
          %get3A_320 = tpu.vector_load %get3A_318[%get3A_319] {strides = array<i32>} : memref<128xi32, #tpu.memory_space<vmem>>, vector<16xi32>,
          %get3A_321 = vector.shape_cast %get3A_320 : vector<16xi32> to vector<16xi32>
          %ge3A_322 = arith.constant 0 : i32
          %ge3A_323 = vector.broadcast %ge3A_322 : i32 to vector<16xi32>
          %ge3A_324 = arith.cmpi sge, %get3A_321, %ge3A_323 : vector<16xi32>
          %jit3A_325 = arith.constant 10000 : i32
          %broadcast_in_dim3A_326 = vector.broadcast %jit3A_325 : i32 to vector<16xi32>
          %select_n3A_327 = arith.select %ge3A_324, %get3A_321, %broadcast_in_dim3A_326 : vector<16xi1>, vector<16xi32>
          %swap3A_328 = tpu.memref_slice %run_scoped3A[%mul3A_228] : memref<256xi32, #tpu.memory_space<vmem>> -> memref<128xi32, #tpu.memory_space<vmem>>
          %swap3A_329 = arith.constant 96 : index
          %swap3A_330 = tpu.vector_load %swap3A_328[%swap3A_329] {strides = array<i32>} : memref<128xi32, #tpu.memory_space<vmem>>, vector<16xi32>,
          %swap3A_331 = vector.shape_cast %swap3A_330 : vector<16xi32> to vector<16xi32>
          %swap3A_332 = vector.shape_cast %select_n3A_327 : vector<16xi32> to vector<16xi32>
          tpu.vector_store %swap3A_328[%swap3A_329], %swap3A_332 {strides = array<i32>} : memref<128xi32, #tpu.memory_space<vmem>>, vector<16xi32>,
          %get3A_333 = tpu.memref_slice %run_scoped3A[%mul3A_228] : memref<256xi32, #tpu.memory_space<vmem>> -> memref<128xi32, #tpu.memory_space<vmem>>
          %get3A_334 = arith.constant 112 : index
          %get3A_335 = tpu.vector_load %get3A_333[%get3A_334] {strides = array<i32>} : memref<128xi32, #tpu.memory_space<vmem>>, vector<16xi32>,
          %get3A_336 = vector.shape_cast %get3A_335 : vector<16xi32> to vector<16xi32>
          %ge3A_337 = arith.constant 0 : i32
          %ge3A_338 = vector.broadcast %ge3A_337 : i32 to vector<16xi32>
          %ge3A_339 = arith.cmpi sge, %get3A_336, %ge3A_338 : vector<16xi32>
          %jit3A_340 = arith.constant 10000 : i32
          %broadcast_in_dim3A_341 = vector.broadcast %jit3A_340 : i32 to vector<16xi32>
          %select_n3A_342 = arith.select %ge3A_339, %get3A_336, %broadcast_in_dim3A_341 : vector<16xi1>, vector<16xi32>
          %swap3A_343 = tpu.memref_slice %run_scoped3A[%mul3A_228] : memref<256xi32, #tpu.memory_space<vmem>> -> memref<128xi32, #tpu.memory_space<vmem>>
          %swap3A_344 = arith.constant 112 : index
          %swap3A_345 = tpu.vector_load %swap3A_343[%swap3A_344] {strides = array<i32>} : memref<128xi32, #tpu.memory_space<vmem>>, vector<16xi32>,
          %swap3A_346 = vector.shape_cast %swap3A_345 : vector<16xi32> to vector<16xi32>
          %swap3A_347 = vector.shape_cast %select_n3A_342 : vector<16xi32> to vector<16xi32>
          tpu.vector_store %swap3A_343[%swap3A_344], %swap3A_347 {strides = array<i32>} : memref<128xi32, #tpu.memory_space<vmem>>, vector<16xi32>,
          "tpu.region"() ({
            %run_scoped3A_412 = tpu.sem_alloc : memref<!tpu.dma_semaphore, #tpu.memory_space<semaphore_mem>>
            %dma_start3A_413 = arith.constant 0 : i32
            %dma_start3A_414 = arith.constant 0 : i32
            %dma_start3A_415 = tpu.memref_slice %run_scoped3A_22[%rem3A_230, %dma_start3A_413, %dma_start3A_414] : memref<2x128x64xi32, #tpu.memory_space<vmem>> -> memref<1x128x64xi32, #tpu.memory_space<vmem>>
            %dma_start3A_416 = tpu.memref_squeeze %dma_start3A_415 : memref<1x128x64xi32, #tpu.memory_space<vmem>> -> memref<128x64xi32, #tpu.memory_space<vmem>>
            %dma_start3A_417 = tpu.memref_slice %run_scoped3A[%mul3A_228] : memref<256xi32, #tpu.memory_space<vmem>> -> memref<128xi32, #tpu.memory_space<vmem>>
            %dma_start3A_418 = arith.constant 0 : i32
            %dma_start3A_419 = arith.constant 0 : i32
            %dma_start3A_420 = tpu.memref_slice %arg5[%dma_start3A_418, %dma_start3A_419] : memref<10240x64xi32, #tpu.memory_space<vmem_shared>> -> memref<10240x64xi32, #tpu.memory_space<vmem_shared>>
            tpu.enqueue_indirect_dma source(%dma_start3A_420 : memref<10240x64xi32, #tpu.memory_space<vmem_shared>>) target(%dma_start3A_416 : memref<128x64xi32, #tpu.memory_space<vmem>>) offsets(%dma_start3A_417 : memref<128xi32, #tpu.memory_space<vmem>>) semaphore(%run_scoped3A_412 : memref<!tpu.dma_semaphore, #tpu.memory_space<semaphore_mem>>)
            %dma_wait3A = arith.constant 0 : i32
            %dma_wait3A_421 = arith.constant 0 : i32
            %dma_wait3A_422 = tpu.memref_slice %run_scoped3A_22[%rem3A_230, %dma_wait3A, %dma_wait3A_421] : memref<2x128x64xi32, #tpu.memory_space<vmem>> -> memref<1x128x64xi32, #tpu.memory_space<vmem>>
            %dma_wait3A_423 = tpu.memref_squeeze %dma_wait3A_422 : memref<1x128x64xi32, #tpu.memory_space<vmem>> -> memref<128x64xi32, #tpu.memory_space<vmem>>
            %dma_wait3A_424 = tpu.memref_slice %run_scoped3A[%mul3A_228] : memref<256xi32, #tpu.memory_space<vmem>> -> memref<128xi32, #tpu.memory_space<vmem>>
            %dma_wait3A_425 = arith.constant 0 : i32
            %dma_wait3A_426 = arith.constant 0 : i32
            %dma_wait3A_427 = tpu.memref_slice %arg5[%dma_wait3A_425, %dma_wait3A_426] : memref<10240x64xi32, #tpu.memory_space<vmem_shared>> -> memref<10240x64xi32, #tpu.memory_space<vmem_shared>>
            tpu.wait_indirect_dma semaphore(%run_scoped3A_412 : memref<!tpu.dma_semaphore, #tpu.memory_space<semaphore_mem>>) src(%dma_wait3A_427 : memref<10240x64xi32, #tpu.memory_space<vmem_shared>>) dst(%dma_wait3A_423 : memref<128x64xi32, #tpu.memory_space<vmem>>)
            tpu.yield
          }) : () -> ()
          "tpu.trace_stop"() : () -> ()
          %ne3A_348 = arith.cmpi ne, %add3A_155, %add3A_173 : i32
          %or3A_349 = arith.constant false
          %or3A_350 = arith.ori %or3A_349, %ne3A_348 : i1
          %or3A_351 = arith.ori %or3A_350, %eq3A_154 : i1
          %convert_element_type3A_352 = arith.extui %or3A_351 : i1 to i32
          %cond3A_353 = arith.constant 0 : i32
          %cond3A_354 = arith.cmpi ne, %convert_element_type3A_352, %cond3A_353 : i32
          scf.if %cond3A_354 {
          } else {
          }
          %and3A_355 = arith.constant false
          %and3A_356 = arith.andi %or3A_351, %and3A_355 : i1
          %ne3A_357 = arith.cmpi ne, %add3A_155, %add3A_173 : i32
          %or3A_358 = arith.constant false
          %or3A_359 = arith.ori %or3A_358, %ne3A_357 : i1
          %or3A_360 = arith.constant false
          %or3A_361 = arith.ori %or3A_359, %or3A_360 : i1
          %or3A_362 = arith.ori %or3A_361, %eq3A_154 : i1
          %convert_element_type3A_363 = arith.extui %or3A_362 : i1 to i32
          %cond3A_364 = arith.constant 0 : i32
          %cond3A_365 = arith.cmpi ne, %convert_element_type3A_363, %cond3A_364 : i32
          scf.if %cond3A_365 {
            "tpu.trace_start"() <{level = 10 : i32, message = "ep_copy_out"}> : () -> ()
            %rem3A_412 = arith.constant 2 : i32
            %rem3A_413 = arith.remui %while3A_145, %rem3A_412 : i32
            %mul3A_414 = arith.constant 128 : i32
            %mul3A_415 = arith.muli %mul3A_414, %add3A_155 : i32
            %dma_start3A_416 = arith.constant 0 : i32
            %dma_start3A_417 = arith.constant 0 : i32
            %dma_start3A_418 = tpu.memref_slice %run_scoped3A_22[%rem3A_413, %dma_start3A_416, %dma_start3A_417] : memref<2x128x64xi32, #tpu.memory_space<vmem>> -> memref<1x128x64xi32, #tpu.memory_space<vmem>>
            %dma_start3A_419 = tpu.memref_squeeze %dma_start3A_418 : memref<1x128x64xi32, #tpu.memory_space<vmem>> -> memref<128x64xi32, #tpu.memory_space<vmem>>
            %dma_start3A_420 = arith.constant 0 : i32
            %dma_start3A_421 = tpu.memref_slice %arg4[%mul3A_415, %dma_start3A_420] : memref<276480x64xi32, #tpu.memory_space<hbm>> -> memref<128x64xi32, #tpu.memory_space<hbm>>
            %dma_start3A_422 = tpu.memref_slice %run_scoped3A_23[%rem3A_413] : memref<2x!tpu.dma_semaphore, #tpu.memory_space<semaphore_mem>> -> memref<1x!tpu.dma_semaphore, #tpu.memory_space<semaphore_mem>>
            %dma_start3A_423 = tpu.memref_squeeze %dma_start3A_422 : memref<1x!tpu.dma_semaphore, #tpu.memory_space<semaphore_mem>> -> memref<!tpu.dma_semaphore, #tpu.memory_space<semaphore_mem>>
            %dma_start3A_424 = arith.constant 0 : i32
            %dma_start3A_425 = tpu.memref_slice %arg4[%mul3A_415, %dma_start3A_424] : memref<276480x64xi32, #tpu.memory_space<hbm>> -> memref<128x64xi32, #tpu.memory_space<hbm>>
            %dma_start3A_426 = arith.constant 0 : i32
            %dma_start3A_427 = arith.constant 0 : i32
            %dma_start3A_428 = tpu.memref_slice %run_scoped3A_22[%rem3A_413, %dma_start3A_426, %dma_start3A_427] : memref<2x128x64xi32, #tpu.memory_space<vmem>> -> memref<1x128x64xi32, #tpu.memory_space<vmem>>
            %dma_start3A_429 = tpu.memref_squeeze %dma_start3A_428 : memref<1x128x64xi32, #tpu.memory_space<vmem>> -> memref<128x64xi32, #tpu.memory_space<vmem>>
            tpu.enqueue_dma source(%dma_start3A_429 : memref<128x64xi32, #tpu.memory_space<vmem>>) target(%dma_start3A_425 : memref<128x64xi32, #tpu.memory_space<hbm>>) target_semaphore(%dma_start3A_423 : memref<!tpu.dma_semaphore, #tpu.memory_space<semaphore_mem>>)
            "tpu.trace_stop"() : () -> ()
          } else {
          }
          %and3A_366 = arith.constant true
          %and3A_367 = arith.andi %or3A_362, %and3A_366 : i1
          %add3A_368 = arith.constant 1 : i32
          %add3A_369 = arith.addi %while3A_145, %add3A_368 : i32
          %select_n3A_370 = arith.select %and3A_367, %add3A_369, %while3A_145 : i32
          %ne3A_371 = arith.cmpi ne, %add3A_155, %add3A_165 : i32
          %or3A_372 = arith.constant false
          %or3A_373 = arith.ori %or3A_372, %ne3A_371 : i1
          %not3A_374 = arith.constant true
          %not3A_375 = arith.xori %eq3A_151, %not3A_374 : i1
          %and3A_376 = arith.andi %or3A_373, %not3A_375 : i1
          %convert_element_type3A_377 = arith.extui %and3A_376 : i1 to i32
          %cond3A_378 = arith.constant 0 : i32
          %cond3A_379 = arith.cmpi ne, %convert_element_type3A_377, %cond3A_378 : i32
          scf.if %cond3A_379 {
          } else {
          }
          %and3A_380 = arith.constant false
          %and3A_381 = arith.andi %and3A_376, %and3A_380 : i1
          %ne3A_382 = arith.cmpi ne, %add3A_155, %add3A_165 : i32
          %or3A_383 = arith.constant false
          %or3A_384 = arith.ori %or3A_383, %ne3A_382 : i1
          %or3A_385 = arith.constant false
          %or3A_386 = arith.ori %or3A_384, %or3A_385 : i1
          %not3A_387 = arith.constant true
          %not3A_388 = arith.xori %eq3A_151, %not3A_387 : i1
          %and3A_389 = arith.andi %or3A_386, %not3A_388 : i1
          %convert_element_type3A_390 = arith.extui %and3A_389 : i1 to i32
          %cond3A_391 = arith.constant 0 : i32
          %cond3A_392 = arith.cmpi ne, %convert_element_type3A_390, %cond3A_391 : i32
          scf.if %cond3A_392 {
            "tpu.trace_start"() <{level = 10 : i32, message = "ep_wait_out"}> : () -> ()
            %rem3A_412 = arith.constant 2 : i32
            %rem3A_413 = arith.remui %while3A_146, %rem3A_412 : i32
            %mul3A_414 = arith.constant 128 : i32
            %mul3A_415 = arith.muli %mul3A_414, %add3A_165 : i32
            %dma_wait3A = arith.constant 0 : i32
            %dma_wait3A_416 = arith.constant 0 : i32
            %dma_wait3A_417 = tpu.memref_slice %run_scoped3A_22[%rem3A_413, %dma_wait3A, %dma_wait3A_416] : memref<2x128x64xi32, #tpu.memory_space<vmem>> -> memref<1x128x64xi32, #tpu.memory_space<vmem>>
            %dma_wait3A_418 = tpu.memref_squeeze %dma_wait3A_417 : memref<1x128x64xi32, #tpu.memory_space<vmem>> -> memref<128x64xi32, #tpu.memory_space<vmem>>
            %dma_wait3A_419 = arith.constant 0 : i32
            %dma_wait3A_420 = tpu.memref_slice %arg4[%mul3A_415, %dma_wait3A_419] : memref<276480x64xi32, #tpu.memory_space<hbm>> -> memref<128x64xi32, #tpu.memory_space<hbm>>
            %dma_wait3A_421 = tpu.memref_slice %run_scoped3A_23[%rem3A_413] : memref<2x!tpu.dma_semaphore, #tpu.memory_space<semaphore_mem>> -> memref<1x!tpu.dma_semaphore, #tpu.memory_space<semaphore_mem>>
            %dma_wait3A_422 = tpu.memref_squeeze %dma_wait3A_421 : memref<1x!tpu.dma_semaphore, #tpu.memory_space<semaphore_mem>> -> memref<!tpu.dma_semaphore, #tpu.memory_space<semaphore_mem>>
            %dma_wait3A_423 = arith.constant 0 : i32
            %dma_wait3A_424 = tpu.memref_slice %arg4[%mul3A_415, %dma_wait3A_423] : memref<276480x64xi32, #tpu.memory_space<hbm>> -> memref<128x64xi32, #tpu.memory_space<hbm>>
            %dma_wait3A_425 = arith.constant 0 : i32
            %dma_wait3A_426 = arith.constant 0 : i32
            %dma_wait3A_427 = tpu.memref_slice %run_scoped3A_22[%rem3A_413, %dma_wait3A_425, %dma_wait3A_426] : memref<2x128x64xi32, #tpu.memory_space<vmem>> -> memref<1x128x64xi32, #tpu.memory_space<vmem>>
            %dma_wait3A_428 = tpu.memref_squeeze %dma_wait3A_427 : memref<1x128x64xi32, #tpu.memory_space<vmem>> -> memref<128x64xi32, #tpu.memory_space<vmem>>
            tpu.wait_dma2 semaphore(%dma_wait3A_422 : memref<!tpu.dma_semaphore, #tpu.memory_space<semaphore_mem>>) src(%dma_wait3A_428 : memref<128x64xi32, #tpu.memory_space<vmem>>) dst(%dma_wait3A_424 : memref<128x64xi32, #tpu.memory_space<hbm>>)
            "tpu.trace_stop"() : () -> ()
          } else {
          }
          %and3A_393 = arith.constant true
          %and3A_394 = arith.andi %and3A_389, %and3A_393 : i1
          %add3A_395 = arith.constant 1 : i32
          %add3A_396 = arith.addi %while3A_146, %add3A_395 : i32
          %select_n3A_397 = arith.select %and3A_394, %add3A_396, %while3A_146 : i32
          %ne3A_398 = arith.cmpi ne, %add3A_155, %add3A_173 : i32
          %or3A_399 = arith.constant false
          %or3A_400 = arith.ori %or3A_399, %ne3A_398 : i1
          %or3A_401 = arith.ori %or3A_400, %eq3A_154 : i1
          %add3A_402 = arith.constant 1 : i32
          %add3A_403 = arith.addi %while3A_144, %add3A_402 : i32
          %select_n3A_404 = arith.select %or3A_401, %add3A_403, %while3A_144 : i32
          %add3A_405 = arith.constant 1 : i32
          %add3A_406 = arith.addi %while3A_147, %add3A_405 : i32
          %select_n3A_407 = arith.constant true
          %select_n3A_408 = arith.select %select_n3A_407, %add3A_406, %while3A_147 : i32
          %eq3A_409 = arith.cmpi eq, %select_n3A_408, %select_n3A : i32
          %select_n3A_410 = arith.constant 0 : i32
          %select_n3A_411 = arith.select %eq3A_409, %select_n3A_410, %select_n3A_408 : i32
          scf.yield %select_n3A_195, %select_n3A_404, %select_n3A_370, %select_n3A_397, %select_n3A_411 : i32, i32, i32, i32, i32
        }
        %while3A_89 = arith.constant 1 : i32
        %while3A_90:5 = scf.for %while3A_142 = %while3A_86 to %while3A_82 step %while3A_89 iter_args(%while3A_143 = %while3A_88#0, %while3A_144 = %while3A_88#1, %while3A_145 = %while3A_88#2, %while3A_146 = %while3A_88#3, %while3A_147 = %while3A_88#4) -> (i32, i32, i32, i32, i32)  : i32 {
          %mul3A_148 = arith.constant 1 : i32
          %mul3A_149 = arith.muli %mul3A_148, %select_n3A : i32
          %eq3A_150 = arith.constant 0 : i32
          %eq3A_151 = arith.cmpi eq, %while3A_142, %eq3A_150 : i32
          %sub3A_152 = arith.constant 1 : i32
          %sub3A_153 = arith.subi %mul3A_149, %sub3A_152 : i32
          %eq3A_154 = arith.cmpi eq, %while3A_142, %sub3A_153 : i32
          %add3A_155 = arith.addi %while3A_147, %select_n3A_18 : i32
          %sub3A_156 = arith.constant 1 : i32
          %sub3A_157 = arith.subi %while3A_147, %sub3A_156 : i32
          %select_n3A_158 = arith.constant true
          %select_n3A_159 = arith.select %select_n3A_158, %sub3A_157, %while3A_147 : i32
          %eq3A_160 = arith.constant -1 : i32
          %eq3A_161 = arith.cmpi eq, %select_n3A_159, %eq3A_160 : i32
          %sub3A_162 = arith.constant 1 : i32
          %sub3A_163 = arith.subi %select_n3A, %sub3A_162 : i32
          %select_n3A_164 = arith.select %eq3A_161, %sub3A_163, %select_n3A_159 : i32
          %add3A_165 = arith.addi %select_n3A_164, %select_n3A_18 : i32
          %add3A_166 = arith.constant 1 : i32
          %add3A_167 = arith.addi %while3A_147, %add3A_166 : i32
          %select_n3A_168 = arith.constant true
          %select_n3A_169 = arith.select %select_n3A_168, %add3A_167, %while3A_147 : i32
          %eq3A_170 = arith.cmpi eq, %select_n3A_169, %select_n3A : i32
          %select_n3A_171 = arith.constant 0 : i32
          %select_n3A_172 = arith.select %eq3A_170, %select_n3A_171, %select_n3A_169 : i32
          %add3A_173 = arith.addi %select_n3A_172, %select_n3A_18 : i32
          %add3A_174 = arith.constant 1 : i32
          %add3A_175 = arith.addi %select_n3A_172, %add3A_174 : i32
          %select_n3A_176 = arith.constant true
          %select_n3A_177 = arith.select %select_n3A_176, %add3A_175, %select_n3A_172 : i32
          %eq3A_178 = arith.cmpi eq, %select_n3A_177, %select_n3A : i32
          %select_n3A_179 = arith.constant 0 : i32
          %select_n3A_180 = arith.select %eq3A_178, %select_n3A_179, %select_n3A_177 : i32
          %add3A_181 = arith.addi %select_n3A_180, %select_n3A_18 : i32
          %ne3A = arith.cmpi ne, %add3A_155, %add3A_173 : i32
          %or3A = arith.constant false
          %or3A_182 = arith.ori %or3A, %ne3A : i1
          %sub3A_183 = arith.constant 2 : i32
          %sub3A_184 = arith.subi %mul3A_149, %sub3A_183 : i32
          %add3A_185 = arith.constant 1 : i32
          %add3A_186 = arith.addi %sub3A_184, %add3A_185 : i32
          %ge3A = arith.cmpi sge, %while3A_142, %add3A_186 : i32
          %not3A = arith.constant true
          %not3A_187 = arith.xori %ge3A, %not3A : i1
          %and3A = arith.andi %or3A_182, %not3A_187 : i1
          %convert_element_type3A_188 = arith.extui %and3A : i1 to i32
          %cond3A_189 = arith.constant 0 : i32
          %cond3A_190 = arith.cmpi ne, %convert_element_type3A_188, %cond3A_189 : i32
          scf.if %cond3A_190 {
            "tpu.trace_start"() <{level = 10 : i32, message = "ep_copy_in"}> : () -> ()
            %rem3A_412 = arith.constant 2 : i32
            %rem3A_413 = arith.remui %while3A_143, %rem3A_412 : i32
            %mul3A_414 = arith.constant 128 : i32
            %mul3A_415 = arith.muli %mul3A_414, %add3A_173 : i32
            %mul3A_416 = arith.constant 128 : i32
            %mul3A_417 = arith.muli %rem3A_413, %mul3A_416 : i32
            %add3A_418 = arith.constant 0 : i32
            %add3A_419 = arith.addi %mul3A_417, %add3A_418 : i32
            %dma_start3A_420 = tpu.memref_slice %run_scoped3A[%add3A_419] : memref<256xi32, #tpu.memory_space<vmem>> -> memref<128xi32, #tpu.memory_space<vmem>>
            %dma_start3A_421 = tpu.memref_slice %arg3[%mul3A_415] : memref<276480xi32, #tpu.memory_space<hbm>> -> memref<128xi32, #tpu.memory_space<hbm>>
            %dma_start3A_422 = tpu.memref_slice %run_scoped3A_21[%rem3A_413] : memref<2x!tpu.dma_semaphore, #tpu.memory_space<semaphore_mem>> -> memref<1x!tpu.dma_semaphore, #tpu.memory_space<semaphore_mem>>
            %dma_start3A_423 = tpu.memref_squeeze %dma_start3A_422 : memref<1x!tpu.dma_semaphore, #tpu.memory_space<semaphore_mem>> -> memref<!tpu.dma_semaphore, #tpu.memory_space<semaphore_mem>>
            %dma_start3A_424 = tpu.memref_slice %run_scoped3A[%add3A_419] : memref<256xi32, #tpu.memory_space<vmem>> -> memref<128xi32, #tpu.memory_space<vmem>>
            %dma_start3A_425 = tpu.memref_slice %arg3[%mul3A_415] : memref<276480xi32, #tpu.memory_space<hbm>> -> memref<128xi32, #tpu.memory_space<hbm>>
            tpu.enqueue_dma source(%dma_start3A_425 : memref<128xi32, #tpu.memory_space<hbm>>) target(%dma_start3A_424 : memref<128xi32, #tpu.memory_space<vmem>>) target_semaphore(%dma_start3A_423 : memref<!tpu.dma_semaphore, #tpu.memory_space<semaphore_mem>>)
            "tpu.trace_stop"() : () -> ()
          } else {
          }
          %and3A_191 = arith.constant true
          %and3A_192 = arith.andi %and3A, %and3A_191 : i1
          %add3A_193 = arith.constant 1 : i32
          %add3A_194 = arith.addi %while3A_143, %add3A_193 : i32
          %select_n3A_195 = arith.select %and3A_192, %add3A_194, %while3A_143 : i32
          %ne3A_196 = arith.cmpi ne, %add3A_155, %add3A_173 : i32
          %or3A_197 = arith.constant false
          %or3A_198 = arith.ori %or3A_197, %ne3A_196 : i1
          %or3A_199 = arith.constant false
          %or3A_200 = arith.ori %or3A_198, %or3A_199 : i1
          %sub3A_201 = arith.constant 2 : i32
          %sub3A_202 = arith.subi %mul3A_149, %sub3A_201 : i32
          %add3A_203 = arith.constant 1 : i32
          %add3A_204 = arith.addi %sub3A_202, %add3A_203 : i32
          %ge3A_205 = arith.cmpi sge, %while3A_142, %add3A_204 : i32
          %not3A_206 = arith.constant true
          %not3A_207 = arith.xori %ge3A_205, %not3A_206 : i1
          %and3A_208 = arith.andi %or3A_200, %not3A_207 : i1
          %ne3A_209 = arith.cmpi ne, %add3A_155, %add3A_165 : i32
          %or3A_210 = arith.constant false
          %or3A_211 = arith.ori %or3A_210, %ne3A_209 : i1
          %or3A_212 = arith.ori %or3A_211, %eq3A_151 : i1
          %convert_element_type3A_213 = arith.extui %or3A_212 : i1 to i32
          %cond3A_214 = arith.constant 0 : i32
          %cond3A_215 = arith.cmpi ne, %convert_element_type3A_213, %cond3A_214 : i32
          scf.if %cond3A_215 {
            "tpu.trace_start"() <{level = 10 : i32, message = "ep_wait_in"}> : () -> ()
            %mul3A_412 = arith.constant 128 : i32
            %mul3A_413 = arith.muli %mul3A_412, %add3A_155 : i32
            %rem3A_414 = arith.constant 2 : i32
            %rem3A_415 = arith.remui %while3A_144, %rem3A_414 : i32
            %mul3A_416 = arith.constant 128 : i32
            %mul3A_417 = arith.muli %rem3A_415, %mul3A_416 : i32
            %add3A_418 = arith.constant 0 : i32
            %add3A_419 = arith.addi %mul3A_417, %add3A_418 : i32
            %dma_wait3A = tpu.memref_slice %run_scoped3A[%add3A_419] : memref<256xi32, #tpu.memory_space<vmem>> -> memref<128xi32, #tpu.memory_space<vmem>>
            %dma_wait3A_420 = tpu.memref_slice %arg3[%mul3A_413] : memref<276480xi32, #tpu.memory_space<hbm>> -> memref<128xi32, #tpu.memory_space<hbm>>
            %dma_wait3A_421 = tpu.memref_slice %run_scoped3A_21[%rem3A_415] : memref<2x!tpu.dma_semaphore, #tpu.memory_space<semaphore_mem>> -> memref<1x!tpu.dma_semaphore, #tpu.memory_space<semaphore_mem>>
            %dma_wait3A_422 = tpu.memref_squeeze %dma_wait3A_421 : memref<1x!tpu.dma_semaphore, #tpu.memory_space<semaphore_mem>> -> memref<!tpu.dma_semaphore, #tpu.memory_space<semaphore_mem>>
            %dma_wait3A_423 = tpu.memref_slice %run_scoped3A[%add3A_419] : memref<256xi32, #tpu.memory_space<vmem>> -> memref<128xi32, #tpu.memory_space<vmem>>
            %dma_wait3A_424 = tpu.memref_slice %arg3[%mul3A_413] : memref<276480xi32, #tpu.memory_space<hbm>> -> memref<128xi32, #tpu.memory_space<hbm>>
            tpu.wait_dma2 semaphore(%dma_wait3A_422 : memref<!tpu.dma_semaphore, #tpu.memory_space<semaphore_mem>>) src(%dma_wait3A_424 : memref<128xi32, #tpu.memory_space<hbm>>) dst(%dma_wait3A_423 : memref<128xi32, #tpu.memory_space<vmem>>)
            "tpu.trace_stop"() : () -> ()
          } else {
          }
          %ne3A_216 = arith.cmpi ne, %add3A_155, %add3A_165 : i32
          %or3A_217 = arith.constant false
          %or3A_218 = arith.ori %or3A_217, %ne3A_216 : i1
          %or3A_219 = arith.constant false
          %or3A_220 = arith.ori %or3A_218, %or3A_219 : i1
          %or3A_221 = arith.ori %or3A_220, %eq3A_151 : i1
          %convert_element_type3A_222 = arith.extui %or3A_221 : i1 to i32
          %cond3A_223 = arith.constant 0 : i32
          %cond3A_224 = arith.cmpi ne, %convert_element_type3A_222, %cond3A_223 : i32
          scf.if %cond3A_224 {
          } else {
          }
          %rem3A_225 = arith.constant 2 : i32
          %rem3A_226 = arith.remui %while3A_144, %rem3A_225 : i32
          %mul3A_227 = arith.constant 128 : i32
          %mul3A_228 = arith.muli %rem3A_226, %mul3A_227 : i32
          %rem3A_229 = arith.constant 2 : i32
          %rem3A_230 = arith.remui %while3A_145, %rem3A_229 : i32
          "tpu.trace_start"() <{level = 10 : i32, message = "ep_run_kernel"}> : () -> ()
          %get3A = tpu.memref_slice %run_scoped3A[%mul3A_228] : memref<256xi32, #tpu.memory_space<vmem>> -> memref<128xi32, #tpu.memory_space<vmem>>
          %get3A_231 = arith.constant 0 : index
          %get3A_232 = tpu.vector_load %get3A[%get3A_231] {strides = array<i32>} : memref<128xi32, #tpu.memory_space<vmem>>, vector<16xi32>,
          %get3A_233 = vector.shape_cast %get3A_232 : vector<16xi32> to vector<16xi32>
          %ge3A_234 = arith.constant 0 : i32
          %ge3A_235 = vector.broadcast %ge3A_234 : i32 to vector<16xi32>
          %ge3A_236 = arith.cmpi sge, %get3A_233, %ge3A_235 : vector<16xi32>
          %jit3A_237 = arith.constant 10000 : i32
          %broadcast_in_dim3A = vector.broadcast %jit3A_237 : i32 to vector<16xi32>
          %select_n3A_238 = arith.select %ge3A_236, %get3A_233, %broadcast_in_dim3A : vector<16xi1>, vector<16xi32>
          %swap3A = tpu.memref_slice %run_scoped3A[%mul3A_228] : memref<256xi32, #tpu.memory_space<vmem>> -> memref<128xi32, #tpu.memory_space<vmem>>
          %swap3A_239 = arith.constant 0 : index
          %swap3A_240 = tpu.vector_load %swap3A[%swap3A_239] {strides = array<i32>} : memref<128xi32, #tpu.memory_space<vmem>>, vector<16xi32>,
          %swap3A_241 = vector.shape_cast %swap3A_240 : vector<16xi32> to vector<16xi32>
          %swap3A_242 = vector.shape_cast %select_n3A_238 : vector<16xi32> to vector<16xi32>
          tpu.vector_store %swap3A[%swap3A_239], %swap3A_242 {strides = array<i32>} : memref<128xi32, #tpu.memory_space<vmem>>, vector<16xi32>,
          %get3A_243 = tpu.memref_slice %run_scoped3A[%mul3A_228] : memref<256xi32, #tpu.memory_space<vmem>> -> memref<128xi32, #tpu.memory_space<vmem>>
          %get3A_244 = arith.constant 16 : index
          %get3A_245 = tpu.vector_load %get3A_243[%get3A_244] {strides = array<i32>} : memref<128xi32, #tpu.memory_space<vmem>>, vector<16xi32>,
          %get3A_246 = vector.shape_cast %get3A_245 : vector<16xi32> to vector<16xi32>
          %ge3A_247 = arith.constant 0 : i32
          %ge3A_248 = vector.broadcast %ge3A_247 : i32 to vector<16xi32>
          %ge3A_249 = arith.cmpi sge, %get3A_246, %ge3A_248 : vector<16xi32>
          %jit3A_250 = arith.constant 10000 : i32
          %broadcast_in_dim3A_251 = vector.broadcast %jit3A_250 : i32 to vector<16xi32>
          %select_n3A_252 = arith.select %ge3A_249, %get3A_246, %broadcast_in_dim3A_251 : vector<16xi1>, vector<16xi32>
          %swap3A_253 = tpu.memref_slice %run_scoped3A[%mul3A_228] : memref<256xi32, #tpu.memory_space<vmem>> -> memref<128xi32, #tpu.memory_space<vmem>>
          %swap3A_254 = arith.constant 16 : index
          %swap3A_255 = tpu.vector_load %swap3A_253[%swap3A_254] {strides = array<i32>} : memref<128xi32, #tpu.memory_space<vmem>>, vector<16xi32>,
          %swap3A_256 = vector.shape_cast %swap3A_255 : vector<16xi32> to vector<16xi32>
          %swap3A_257 = vector.shape_cast %select_n3A_252 : vector<16xi32> to vector<16xi32>
          tpu.vector_store %swap3A_253[%swap3A_254], %swap3A_257 {strides = array<i32>} : memref<128xi32, #tpu.memory_space<vmem>>, vector<16xi32>,
          %get3A_258 = tpu.memref_slice %run_scoped3A[%mul3A_228] : memref<256xi32, #tpu.memory_space<vmem>> -> memref<128xi32, #tpu.memory_space<vmem>>
          %get3A_259 = arith.constant 32 : index
          %get3A_260 = tpu.vector_load %get3A_258[%get3A_259] {strides = array<i32>} : memref<128xi32, #tpu.memory_space<vmem>>, vector<16xi32>,
          %get3A_261 = vector.shape_cast %get3A_260 : vector<16xi32> to vector<16xi32>
          %ge3A_262 = arith.constant 0 : i32
          %ge3A_263 = vector.broadcast %ge3A_262 : i32 to vector<16xi32>
          %ge3A_264 = arith.cmpi sge, %get3A_261, %ge3A_263 : vector<16xi32>
          %jit3A_265 = arith.constant 10000 : i32
          %broadcast_in_dim3A_266 = vector.broadcast %jit3A_265 : i32 to vector<16xi32>
          %select_n3A_267 = arith.select %ge3A_264, %get3A_261, %broadcast_in_dim3A_266 : vector<16xi1>, vector<16xi32>
          %swap3A_268 = tpu.memref_slice %run_scoped3A[%mul3A_228] : memref<256xi32, #tpu.memory_space<vmem>> -> memref<128xi32, #tpu.memory_space<vmem>>
          %swap3A_269 = arith.constant 32 : index
          %swap3A_270 = tpu.vector_load %swap3A_268[%swap3A_269] {strides = array<i32>} : memref<128xi32, #tpu.memory_space<vmem>>, vector<16xi32>,
          %swap3A_271 = vector.shape_cast %swap3A_270 : vector<16xi32> to vector<16xi32>
          %swap3A_272 = vector.shape_cast %select_n3A_267 : vector<16xi32> to vector<16xi32>
          tpu.vector_store %swap3A_268[%swap3A_269], %swap3A_272 {strides = array<i32>} : memref<128xi32, #tpu.memory_space<vmem>>, vector<16xi32>,
          %get3A_273 = tpu.memref_slice %run_scoped3A[%mul3A_228] : memref<256xi32, #tpu.memory_space<vmem>> -> memref<128xi32, #tpu.memory_space<vmem>>
          %get3A_274 = arith.constant 48 : index
          %get3A_275 = tpu.vector_load %get3A_273[%get3A_274] {strides = array<i32>} : memref<128xi32, #tpu.memory_space<vmem>>, vector<16xi32>,
          %get3A_276 = vector.shape_cast %get3A_275 : vector<16xi32> to vector<16xi32>
          %ge3A_277 = arith.constant 0 : i32
          %ge3A_278 = vector.broadcast %ge3A_277 : i32 to vector<16xi32>
          %ge3A_279 = arith.cmpi sge, %get3A_276, %ge3A_278 : vector<16xi32>
          %jit3A_280 = arith.constant 10000 : i32
          %broadcast_in_dim3A_281 = vector.broadcast %jit3A_280 : i32 to vector<16xi32>
          %select_n3A_282 = arith.select %ge3A_279, %get3A_276, %broadcast_in_dim3A_281 : vector<16xi1>, vector<16xi32>
          %swap3A_283 = tpu.memref_slice %run_scoped3A[%mul3A_228] : memref<256xi32, #tpu.memory_space<vmem>> -> memref<128xi32, #tpu.memory_space<vmem>>
          %swap3A_284 = arith.constant 48 : index
          %swap3A_285 = tpu.vector_load %swap3A_283[%swap3A_284] {strides = array<i32>} : memref<128xi32, #tpu.memory_space<vmem>>, vector<16xi32>,
          %swap3A_286 = vector.shape_cast %swap3A_285 : vector<16xi32> to vector<16xi32>
          %swap3A_287 = vector.shape_cast %select_n3A_282 : vector<16xi32> to vector<16xi32>
          tpu.vector_store %swap3A_283[%swap3A_284], %swap3A_287 {strides = array<i32>} : memref<128xi32, #tpu.memory_space<vmem>>, vector<16xi32>,
          %get3A_288 = tpu.memref_slice %run_scoped3A[%mul3A_228] : memref<256xi32, #tpu.memory_space<vmem>> -> memref<128xi32, #tpu.memory_space<vmem>>
          %get3A_289 = arith.constant 64 : index
          %get3A_290 = tpu.vector_load %get3A_288[%get3A_289] {strides = array<i32>} : memref<128xi32, #tpu.memory_space<vmem>>, vector<16xi32>,
          %get3A_291 = vector.shape_cast %get3A_290 : vector<16xi32> to vector<16xi32>
          %ge3A_292 = arith.constant 0 : i32
          %ge3A_293 = vector.broadcast %ge3A_292 : i32 to vector<16xi32>
          %ge3A_294 = arith.cmpi sge, %get3A_291, %ge3A_293 : vector<16xi32>
          %jit3A_295 = arith.constant 10000 : i32
          %broadcast_in_dim3A_296 = vector.broadcast %jit3A_295 : i32 to vector<16xi32>
          %select_n3A_297 = arith.select %ge3A_294, %get3A_291, %broadcast_in_dim3A_296 : vector<16xi1>, vector<16xi32>
          %swap3A_298 = tpu.memref_slice %run_scoped3A[%mul3A_228] : memref<256xi32, #tpu.memory_space<vmem>> -> memref<128xi32, #tpu.memory_space<vmem>>
          %swap3A_299 = arith.constant 64 : index
          %swap3A_300 = tpu.vector_load %swap3A_298[%swap3A_299] {strides = array<i32>} : memref<128xi32, #tpu.memory_space<vmem>>, vector<16xi32>,
          %swap3A_301 = vector.shape_cast %swap3A_300 : vector<16xi32> to vector<16xi32>
          %swap3A_302 = vector.shape_cast %select_n3A_297 : vector<16xi32> to vector<16xi32>
          tpu.vector_store %swap3A_298[%swap3A_299], %swap3A_302 {strides = array<i32>} : memref<128xi32, #tpu.memory_space<vmem>>, vector<16xi32>,
          %get3A_303 = tpu.memref_slice %run_scoped3A[%mul3A_228] : memref<256xi32, #tpu.memory_space<vmem>> -> memref<128xi32, #tpu.memory_space<vmem>>
          %get3A_304 = arith.constant 80 : index
          %get3A_305 = tpu.vector_load %get3A_303[%get3A_304] {strides = array<i32>} : memref<128xi32, #tpu.memory_space<vmem>>, vector<16xi32>,
          %get3A_306 = vector.shape_cast %get3A_305 : vector<16xi32> to vector<16xi32>
          %ge3A_307 = arith.constant 0 : i32
          %ge3A_308 = vector.broadcast %ge3A_307 : i32 to vector<16xi32>
          %ge3A_309 = arith.cmpi sge, %get3A_306, %ge3A_308 : vector<16xi32>
          %jit3A_310 = arith.constant 10000 : i32
          %broadcast_in_dim3A_311 = vector.broadcast %jit3A_310 : i32 to vector<16xi32>
          %select_n3A_312 = arith.select %ge3A_309, %get3A_306, %broadcast_in_dim3A_311 : vector<16xi1>, vector<16xi32>
          %swap3A_313 = tpu.memref_slice %run_scoped3A[%mul3A_228] : memref<256xi32, #tpu.memory_space<vmem>> -> memref<128xi32, #tpu.memory_space<vmem>>
          %swap3A_314 = arith.constant 80 : index
          %swap3A_315 = tpu.vector_load %swap3A_313[%swap3A_314] {strides = array<i32>} : memref<128xi32, #tpu.memory_space<vmem>>, vector<16xi32>,
          %swap3A_316 = vector.shape_cast %swap3A_315 : vector<16xi32> to vector<16xi32>
          %swap3A_317 = vector.shape_cast %select_n3A_312 : vector<16xi32> to vector<16xi32>
          tpu.vector_store %swap3A_313[%swap3A_314], %swap3A_317 {strides = array<i32>} : memref<128xi32, #tpu.memory_space<vmem>>, vector<16xi32>,
          %get3A_318 = tpu.memref_slice %run_scoped3A[%mul3A_228] : memref<256xi32, #tpu.memory_space<vmem>> -> memref<128xi32, #tpu.memory_space<vmem>>
          %get3A_319 = arith.constant 96 : index
          %get3A_320 = tpu.vector_load %get3A_318[%get3A_319] {strides = array<i32>} : memref<128xi32, #tpu.memory_space<vmem>>, vector<16xi32>,
          %get3A_321 = vector.shape_cast %get3A_320 : vector<16xi32> to vector<16xi32>
          %ge3A_322 = arith.constant 0 : i32
          %ge3A_323 = vector.broadcast %ge3A_322 : i32 to vector<16xi32>
          %ge3A_324 = arith.cmpi sge, %get3A_321, %ge3A_323 : vector<16xi32>
          %jit3A_325 = arith.constant 10000 : i32
          %broadcast_in_dim3A_326 = vector.broadcast %jit3A_325 : i32 to vector<16xi32>
          %select_n3A_327 = arith.select %ge3A_324, %get3A_321, %broadcast_in_dim3A_326 : vector<16xi1>, vector<16xi32>
          %swap3A_328 = tpu.memref_slice %run_scoped3A[%mul3A_228] : memref<256xi32, #tpu.memory_space<vmem>> -> memref<128xi32, #tpu.memory_space<vmem>>
          %swap3A_329 = arith.constant 96 : index
          %swap3A_330 = tpu.vector_load %swap3A_328[%swap3A_329] {strides = array<i32>} : memref<128xi32, #tpu.memory_space<vmem>>, vector<16xi32>,
          %swap3A_331 = vector.shape_cast %swap3A_330 : vector<16xi32> to vector<16xi32>
          %swap3A_332 = vector.shape_cast %select_n3A_327 : vector<16xi32> to vector<16xi32>
          tpu.vector_store %swap3A_328[%swap3A_329], %swap3A_332 {strides = array<i32>} : memref<128xi32, #tpu.memory_space<vmem>>, vector<16xi32>,
          %get3A_333 = tpu.memref_slice %run_scoped3A[%mul3A_228] : memref<256xi32, #tpu.memory_space<vmem>> -> memref<128xi32, #tpu.memory_space<vmem>>
          %get3A_334 = arith.constant 112 : index
          %get3A_335 = tpu.vector_load %get3A_333[%get3A_334] {strides = array<i32>} : memref<128xi32, #tpu.memory_space<vmem>>, vector<16xi32>,
          %get3A_336 = vector.shape_cast %get3A_335 : vector<16xi32> to vector<16xi32>
          %ge3A_337 = arith.constant 0 : i32
          %ge3A_338 = vector.broadcast %ge3A_337 : i32 to vector<16xi32>
          %ge3A_339 = arith.cmpi sge, %get3A_336, %ge3A_338 : vector<16xi32>
          %jit3A_340 = arith.constant 10000 : i32
          %broadcast_in_dim3A_341 = vector.broadcast %jit3A_340 : i32 to vector<16xi32>
          %select_n3A_342 = arith.select %ge3A_339, %get3A_336, %broadcast_in_dim3A_341 : vector<16xi1>, vector<16xi32>
          %swap3A_343 = tpu.memref_slice %run_scoped3A[%mul3A_228] : memref<256xi32, #tpu.memory_space<vmem>> -> memref<128xi32, #tpu.memory_space<vmem>>
          %swap3A_344 = arith.constant 112 : index
          %swap3A_345 = tpu.vector_load %swap3A_343[%swap3A_344] {strides = array<i32>} : memref<128xi32, #tpu.memory_space<vmem>>, vector<16xi32>,
          %swap3A_346 = vector.shape_cast %swap3A_345 : vector<16xi32> to vector<16xi32>
          %swap3A_347 = vector.shape_cast %select_n3A_342 : vector<16xi32> to vector<16xi32>
          tpu.vector_store %swap3A_343[%swap3A_344], %swap3A_347 {strides = array<i32>} : memref<128xi32, #tpu.memory_space<vmem>>, vector<16xi32>,
          "tpu.region"() ({
            %run_scoped3A_412 = tpu.sem_alloc : memref<!tpu.dma_semaphore, #tpu.memory_space<semaphore_mem>>
            %dma_start3A_413 = arith.constant 0 : i32
            %dma_start3A_414 = arith.constant 0 : i32
            %dma_start3A_415 = tpu.memref_slice %run_scoped3A_22[%rem3A_230, %dma_start3A_413, %dma_start3A_414] : memref<2x128x64xi32, #tpu.memory_space<vmem>> -> memref<1x128x64xi32, #tpu.memory_space<vmem>>
            %dma_start3A_416 = tpu.memref_squeeze %dma_start3A_415 : memref<1x128x64xi32, #tpu.memory_space<vmem>> -> memref<128x64xi32, #tpu.memory_space<vmem>>
            %dma_start3A_417 = tpu.memref_slice %run_scoped3A[%mul3A_228] : memref<256xi32, #tpu.memory_space<vmem>> -> memref<128xi32, #tpu.memory_space<vmem>>
            %dma_start3A_418 = arith.constant 0 : i32
            %dma_start3A_419 = arith.constant 0 : i32
            %dma_start3A_420 = tpu.memref_slice %arg5[%dma_start3A_418, %dma_start3A_419] : memref<10240x64xi32, #tpu.memory_space<vmem_shared>> -> memref<10240x64xi32, #tpu.memory_space<vmem_shared>>
            tpu.enqueue_indirect_dma source(%dma_start3A_420 : memref<10240x64xi32, #tpu.memory_space<vmem_shared>>) target(%dma_start3A_416 : memref<128x64xi32, #tpu.memory_space<vmem>>) offsets(%dma_start3A_417 : memref<128xi32, #tpu.memory_space<vmem>>) semaphore(%run_scoped3A_412 : memref<!tpu.dma_semaphore, #tpu.memory_space<semaphore_mem>>)
            %dma_wait3A = arith.constant 0 : i32
            %dma_wait3A_421 = arith.constant 0 : i32
            %dma_wait3A_422 = tpu.memref_slice %run_scoped3A_22[%rem3A_230, %dma_wait3A, %dma_wait3A_421] : memref<2x128x64xi32, #tpu.memory_space<vmem>> -> memref<1x128x64xi32, #tpu.memory_space<vmem>>
            %dma_wait3A_423 = tpu.memref_squeeze %dma_wait3A_422 : memref<1x128x64xi32, #tpu.memory_space<vmem>> -> memref<128x64xi32, #tpu.memory_space<vmem>>
            %dma_wait3A_424 = tpu.memref_slice %run_scoped3A[%mul3A_228] : memref<256xi32, #tpu.memory_space<vmem>> -> memref<128xi32, #tpu.memory_space<vmem>>
            %dma_wait3A_425 = arith.constant 0 : i32
            %dma_wait3A_426 = arith.constant 0 : i32
            %dma_wait3A_427 = tpu.memref_slice %arg5[%dma_wait3A_425, %dma_wait3A_426] : memref<10240x64xi32, #tpu.memory_space<vmem_shared>> -> memref<10240x64xi32, #tpu.memory_space<vmem_shared>>
            tpu.wait_indirect_dma semaphore(%run_scoped3A_412 : memref<!tpu.dma_semaphore, #tpu.memory_space<semaphore_mem>>) src(%dma_wait3A_427 : memref<10240x64xi32, #tpu.memory_space<vmem_shared>>) dst(%dma_wait3A_423 : memref<128x64xi32, #tpu.memory_space<vmem>>)
            tpu.yield
          }) : () -> ()
          "tpu.trace_stop"() : () -> ()
          %ne3A_348 = arith.cmpi ne, %add3A_155, %add3A_173 : i32
          %or3A_349 = arith.constant false
          %or3A_350 = arith.ori %or3A_349, %ne3A_348 : i1
          %or3A_351 = arith.ori %or3A_350, %eq3A_154 : i1
          %convert_element_type3A_352 = arith.extui %or3A_351 : i1 to i32
          %cond3A_353 = arith.constant 0 : i32
          %cond3A_354 = arith.cmpi ne, %convert_element_type3A_352, %cond3A_353 : i32
          scf.if %cond3A_354 {
          } else {
          }
          %and3A_355 = arith.constant false
          %and3A_356 = arith.andi %or3A_351, %and3A_355 : i1
          %ne3A_357 = arith.cmpi ne, %add3A_155, %add3A_173 : i32
          %or3A_358 = arith.constant false
          %or3A_359 = arith.ori %or3A_358, %ne3A_357 : i1
          %or3A_360 = arith.constant false
          %or3A_361 = arith.ori %or3A_359, %or3A_360 : i1
          %or3A_362 = arith.ori %or3A_361, %eq3A_154 : i1
          %convert_element_type3A_363 = arith.extui %or3A_362 : i1 to i32
          %cond3A_364 = arith.constant 0 : i32
          %cond3A_365 = arith.cmpi ne, %convert_element_type3A_363, %cond3A_364 : i32
          scf.if %cond3A_365 {
            "tpu.trace_start"() <{level = 10 : i32, message = "ep_copy_out"}> : () -> ()
            %rem3A_412 = arith.constant 2 : i32
            %rem3A_413 = arith.remui %while3A_145, %rem3A_412 : i32
            %mul3A_414 = arith.constant 128 : i32
            %mul3A_415 = arith.muli %mul3A_414, %add3A_155 : i32
            %dma_start3A_416 = arith.constant 0 : i32
            %dma_start3A_417 = arith.constant 0 : i32
            %dma_start3A_418 = tpu.memref_slice %run_scoped3A_22[%rem3A_413, %dma_start3A_416, %dma_start3A_417] : memref<2x128x64xi32, #tpu.memory_space<vmem>> -> memref<1x128x64xi32, #tpu.memory_space<vmem>>
            %dma_start3A_419 = tpu.memref_squeeze %dma_start3A_418 : memref<1x128x64xi32, #tpu.memory_space<vmem>> -> memref<128x64xi32, #tpu.memory_space<vmem>>
            %dma_start3A_420 = arith.constant 0 : i32
            %dma_start3A_421 = tpu.memref_slice %arg4[%mul3A_415, %dma_start3A_420] : memref<276480x64xi32, #tpu.memory_space<hbm>> -> memref<128x64xi32, #tpu.memory_space<hbm>>
            %dma_start3A_422 = tpu.memref_slice %run_scoped3A_23[%rem3A_413] : memref<2x!tpu.dma_semaphore, #tpu.memory_space<semaphore_mem>> -> memref<1x!tpu.dma_semaphore, #tpu.memory_space<semaphore_mem>>
            %dma_start3A_423 = tpu.memref_squeeze %dma_start3A_422 : memref<1x!tpu.dma_semaphore, #tpu.memory_space<semaphore_mem>> -> memref<!tpu.dma_semaphore, #tpu.memory_space<semaphore_mem>>
            %dma_start3A_424 = arith.constant 0 : i32
            %dma_start3A_425 = tpu.memref_slice %arg4[%mul3A_415, %dma_start3A_424] : memref<276480x64xi32, #tpu.memory_space<hbm>> -> memref<128x64xi32, #tpu.memory_space<hbm>>
            %dma_start3A_426 = arith.constant 0 : i32
            %dma_start3A_427 = arith.constant 0 : i32
            %dma_start3A_428 = tpu.memref_slice %run_scoped3A_22[%rem3A_413, %dma_start3A_426, %dma_start3A_427] : memref<2x128x64xi32, #tpu.memory_space<vmem>> -> memref<1x128x64xi32, #tpu.memory_space<vmem>>
            %dma_start3A_429 = tpu.memref_squeeze %dma_start3A_428 : memref<1x128x64xi32, #tpu.memory_space<vmem>> -> memref<128x64xi32, #tpu.memory_space<vmem>>
            tpu.enqueue_dma source(%dma_start3A_429 : memref<128x64xi32, #tpu.memory_space<vmem>>) target(%dma_start3A_425 : memref<128x64xi32, #tpu.memory_space<hbm>>) target_semaphore(%dma_start3A_423 : memref<!tpu.dma_semaphore, #tpu.memory_space<semaphore_mem>>)
            "tpu.trace_stop"() : () -> ()
          } else {
          }
          %and3A_366 = arith.constant true
          %and3A_367 = arith.andi %or3A_362, %and3A_366 : i1
          %add3A_368 = arith.constant 1 : i32
          %add3A_369 = arith.addi %while3A_145, %add3A_368 : i32
          %select_n3A_370 = arith.select %and3A_367, %add3A_369, %while3A_145 : i32
          %ne3A_371 = arith.cmpi ne, %add3A_155, %add3A_165 : i32
          %or3A_372 = arith.constant false
          %or3A_373 = arith.ori %or3A_372, %ne3A_371 : i1
          %not3A_374 = arith.constant true
          %not3A_375 = arith.xori %eq3A_151, %not3A_374 : i1
          %and3A_376 = arith.andi %or3A_373, %not3A_375 : i1
          %convert_element_type3A_377 = arith.extui %and3A_376 : i1 to i32
          %cond3A_378 = arith.constant 0 : i32
          %cond3A_379 = arith.cmpi ne, %convert_element_type3A_377, %cond3A_378 : i32
          scf.if %cond3A_379 {
          } else {
          }
          %and3A_380 = arith.constant false
          %and3A_381 = arith.andi %and3A_376, %and3A_380 : i1
          %ne3A_382 = arith.cmpi ne, %add3A_155, %add3A_165 : i32
          %or3A_383 = arith.constant false
          %or3A_384 = arith.ori %or3A_383, %ne3A_382 : i1
          %or3A_385 = arith.constant false
          %or3A_386 = arith.ori %or3A_384, %or3A_385 : i1
          %not3A_387 = arith.constant true
          %not3A_388 = arith.xori %eq3A_151, %not3A_387 : i1
          %and3A_389 = arith.andi %or3A_386, %not3A_388 : i1
          %convert_element_type3A_390 = arith.extui %and3A_389 : i1 to i32
          %cond3A_391 = arith.constant 0 : i32
          %cond3A_392 = arith.cmpi ne, %convert_element_type3A_390, %cond3A_391 : i32
          scf.if %cond3A_392 {
            "tpu.trace_start"() <{level = 10 : i32, message = "ep_wait_out"}> : () -> ()
            %rem3A_412 = arith.constant 2 : i32
            %rem3A_413 = arith.remui %while3A_146, %rem3A_412 : i32
            %mul3A_414 = arith.constant 128 : i32
            %mul3A_415 = arith.muli %mul3A_414, %add3A_165 : i32
            %dma_wait3A = arith.constant 0 : i32
            %dma_wait3A_416 = arith.constant 0 : i32
            %dma_wait3A_417 = tpu.memref_slice %run_scoped3A_22[%rem3A_413, %dma_wait3A, %dma_wait3A_416] : memref<2x128x64xi32, #tpu.memory_space<vmem>> -> memref<1x128x64xi32, #tpu.memory_space<vmem>>
            %dma_wait3A_418 = tpu.memref_squeeze %dma_wait3A_417 : memref<1x128x64xi32, #tpu.memory_space<vmem>> -> memref<128x64xi32, #tpu.memory_space<vmem>>
            %dma_wait3A_419 = arith.constant 0 : i32
            %dma_wait3A_420 = tpu.memref_slice %arg4[%mul3A_415, %dma_wait3A_419] : memref<276480x64xi32, #tpu.memory_space<hbm>> -> memref<128x64xi32, #tpu.memory_space<hbm>>
            %dma_wait3A_421 = tpu.memref_slice %run_scoped3A_23[%rem3A_413] : memref<2x!tpu.dma_semaphore, #tpu.memory_space<semaphore_mem>> -> memref<1x!tpu.dma_semaphore, #tpu.memory_space<semaphore_mem>>
            %dma_wait3A_422 = tpu.memref_squeeze %dma_wait3A_421 : memref<1x!tpu.dma_semaphore, #tpu.memory_space<semaphore_mem>> -> memref<!tpu.dma_semaphore, #tpu.memory_space<semaphore_mem>>
            %dma_wait3A_423 = arith.constant 0 : i32
            %dma_wait3A_424 = tpu.memref_slice %arg4[%mul3A_415, %dma_wait3A_423] : memref<276480x64xi32, #tpu.memory_space<hbm>> -> memref<128x64xi32, #tpu.memory_space<hbm>>
            %dma_wait3A_425 = arith.constant 0 : i32
            %dma_wait3A_426 = arith.constant 0 : i32
            %dma_wait3A_427 = tpu.memref_slice %run_scoped3A_22[%rem3A_413, %dma_wait3A_425, %dma_wait3A_426] : memref<2x128x64xi32, #tpu.memory_space<vmem>> -> memref<1x128x64xi32, #tpu.memory_space<vmem>>
            %dma_wait3A_428 = tpu.memref_squeeze %dma_wait3A_427 : memref<1x128x64xi32, #tpu.memory_space<vmem>> -> memref<128x64xi32, #tpu.memory_space<vmem>>
            tpu.wait_dma2 semaphore(%dma_wait3A_422 : memref<!tpu.dma_semaphore, #tpu.memory_space<semaphore_mem>>) src(%dma_wait3A_428 : memref<128x64xi32, #tpu.memory_space<vmem>>) dst(%dma_wait3A_424 : memref<128x64xi32, #tpu.memory_space<hbm>>)
            "tpu.trace_stop"() : () -> ()
          } else {
          }
          %and3A_393 = arith.constant true
          %and3A_394 = arith.andi %and3A_389, %and3A_393 : i1
          %add3A_395 = arith.constant 1 : i32
          %add3A_396 = arith.addi %while3A_146, %add3A_395 : i32
          %select_n3A_397 = arith.select %and3A_394, %add3A_396, %while3A_146 : i32
          %ne3A_398 = arith.cmpi ne, %add3A_155, %add3A_173 : i32
          %or3A_399 = arith.constant false
          %or3A_400 = arith.ori %or3A_399, %ne3A_398 : i1
          %or3A_401 = arith.ori %or3A_400, %eq3A_154 : i1
          %add3A_402 = arith.constant 1 : i32
          %add3A_403 = arith.addi %while3A_144, %add3A_402 : i32
          %select_n3A_404 = arith.select %or3A_401, %add3A_403, %while3A_144 : i32
          %add3A_405 = arith.constant 1 : i32
          %add3A_406 = arith.addi %while3A_147, %add3A_405 : i32
          %select_n3A_407 = arith.constant true
          %select_n3A_408 = arith.select %select_n3A_407, %add3A_406, %while3A_147 : i32
          %eq3A_409 = arith.cmpi eq, %select_n3A_408, %select_n3A : i32
          %select_n3A_410 = arith.constant 0 : i32
          %select_n3A_411 = arith.select %eq3A_409, %select_n3A_410, %select_n3A_408 : i32
          scf.yield %select_n3A_195, %select_n3A_404, %select_n3A_370, %select_n3A_397, %select_n3A_411 : i32, i32, i32, i32, i32
        }
        %sub3A_91 = arith.constant 1 : i32
        %sub3A_92 = arith.subi %while3A_90#4, %sub3A_91 : i32
        %select_n3A_93 = arith.constant true
        %select_n3A_94 = arith.select %select_n3A_93, %sub3A_92, %while3A_90#4 : i32
        %eq3A_95 = arith.constant -1 : i32
        %eq3A_96 = arith.cmpi eq, %select_n3A_94, %eq3A_95 : i32
        %sub3A_97 = arith.constant 1 : i32
        %sub3A_98 = arith.subi %select_n3A, %sub3A_97 : i32
        %select_n3A_99 = arith.select %eq3A_96, %sub3A_98, %select_n3A_94 : i32
        %sub3A_100 = arith.constant 1 : i32
        %sub3A_101 = arith.subi %mul3A_20, %sub3A_100 : i32
        %mul3A_102 = arith.constant 1 : i32
        %mul3A_103 = arith.muli %mul3A_102, %select_n3A : i32
        %eq3A_104 = arith.constant 0 : i32
        %eq3A_105 = arith.cmpi eq, %sub3A_101, %eq3A_104 : i32
        %sub3A_106 = arith.constant 1 : i32
        %sub3A_107 = arith.subi %mul3A_103, %sub3A_106 : i32
        %eq3A_108 = arith.cmpi eq, %sub3A_101, %sub3A_107 : i32
        %add3A_109 = arith.addi %select_n3A_99, %select_n3A_18 : i32
        %sub3A_110 = arith.constant 1 : i32
        %sub3A_111 = arith.subi %select_n3A_99, %sub3A_110 : i32
        %select_n3A_112 = arith.constant true
        %select_n3A_113 = arith.select %select_n3A_112, %sub3A_111, %select_n3A_99 : i32
        %eq3A_114 = arith.constant -1 : i32
        %eq3A_115 = arith.cmpi eq, %select_n3A_113, %eq3A_114 : i32
        %sub3A_116 = arith.constant 1 : i32
        %sub3A_117 = arith.subi %select_n3A, %sub3A_116 : i32
        %select_n3A_118 = arith.select %eq3A_115, %sub3A_117, %select_n3A_113 : i32
        %add3A_119 = arith.addi %select_n3A_118, %select_n3A_18 : i32
        %add3A_120 = arith.constant 1 : i32
        %add3A_121 = arith.addi %select_n3A_99, %add3A_120 : i32
        %select_n3A_122 = arith.constant true
        %select_n3A_123 = arith.select %select_n3A_122, %add3A_121, %select_n3A_99 : i32
        %eq3A_124 = arith.cmpi eq, %select_n3A_123, %select_n3A : i32
        %select_n3A_125 = arith.constant 0 : i32
        %select_n3A_126 = arith.select %eq3A_124, %select_n3A_125, %select_n3A_123 : i32
        %add3A_127 = arith.addi %select_n3A_126, %select_n3A_18 : i32
        %add3A_128 = arith.constant 1 : i32
        %add3A_129 = arith.addi %select_n3A_126, %add3A_128 : i32
        %select_n3A_130 = arith.constant true
        %select_n3A_131 = arith.select %select_n3A_130, %add3A_129, %select_n3A_126 : i32
        %eq3A_132 = arith.cmpi eq, %select_n3A_131, %select_n3A : i32
        %select_n3A_133 = arith.constant 0 : i32
        %select_n3A_134 = arith.select %eq3A_132, %select_n3A_133, %select_n3A_131 : i32
        %add3A_135 = arith.addi %select_n3A_134, %select_n3A_18 : i32
        %convert_element_type3A_136 = arith.extui %eq3A_108 : i1 to i32
        %cond3A_137 = arith.constant 0 : i32
        %cond3A_138 = arith.cmpi ne, %convert_element_type3A_136, %cond3A_137 : i32
        scf.if %cond3A_138 {
        } else {
        }
        %convert_element_type3A_139 = arith.extui %eq3A_108 : i1 to i32
        %cond3A_140 = arith.constant 0 : i32
        %cond3A_141 = arith.cmpi ne, %convert_element_type3A_139, %cond3A_140 : i32
        scf.if %cond3A_141 {
          "tpu.trace_start"() <{level = 10 : i32, message = "ep_finalize"}> : () -> ()
          %rem3A_142 = arith.constant 2 : i32
          %rem3A_143 = arith.remui %while3A_90#3, %rem3A_142 : i32
          %mul3A_144 = arith.constant 128 : i32
          %mul3A_145 = arith.muli %mul3A_144, %add3A_109 : i32
          %dma_wait3A = arith.constant 0 : i32
          %dma_wait3A_146 = arith.constant 0 : i32
          %dma_wait3A_147 = tpu.memref_slice %run_scoped3A_22[%rem3A_143, %dma_wait3A, %dma_wait3A_146] : memref<2x128x64xi32, #tpu.memory_space<vmem>> -> memref<1x128x64xi32, #tpu.memory_space<vmem>>
          %dma_wait3A_148 = tpu.memref_squeeze %dma_wait3A_147 : memref<1x128x64xi32, #tpu.memory_space<vmem>> -> memref<128x64xi32, #tpu.memory_space<vmem>>
          %dma_wait3A_149 = arith.constant 0 : i32
          %dma_wait3A_150 = tpu.memref_slice %arg4[%mul3A_145, %dma_wait3A_149] : memref<276480x64xi32, #tpu.memory_space<hbm>> -> memref<128x64xi32, #tpu.memory_space<hbm>>
          %dma_wait3A_151 = tpu.memref_slice %run_scoped3A_23[%rem3A_143] : memref<2x!tpu.dma_semaphore, #tpu.memory_space<semaphore_mem>> -> memref<1x!tpu.dma_semaphore, #tpu.memory_space<semaphore_mem>>
          %dma_wait3A_152 = tpu.memref_squeeze %dma_wait3A_151 : memref<1x!tpu.dma_semaphore, #tpu.memory_space<semaphore_mem>> -> memref<!tpu.dma_semaphore, #tpu.memory_space<semaphore_mem>>
          %dma_wait3A_153 = arith.constant 0 : i32
          %dma_wait3A_154 = tpu.memref_slice %arg4[%mul3A_145, %dma_wait3A_153] : memref<276480x64xi32, #tpu.memory_space<hbm>> -> memref<128x64xi32, #tpu.memory_space<hbm>>
          %dma_wait3A_155 = arith.constant 0 : i32
          %dma_wait3A_156 = arith.constant 0 : i32
          %dma_wait3A_157 = tpu.memref_slice %run_scoped3A_22[%rem3A_143, %dma_wait3A_155, %dma_wait3A_156] : memref<2x128x64xi32, #tpu.memory_space<vmem>> -> memref<1x128x64xi32, #tpu.memory_space<vmem>>
          %dma_wait3A_158 = tpu.memref_squeeze %dma_wait3A_157 : memref<1x128x64xi32, #tpu.memory_space<vmem>> -> memref<128x64xi32, #tpu.memory_space<vmem>>
          tpu.wait_dma2 semaphore(%dma_wait3A_152 : memref<!tpu.dma_semaphore, #tpu.memory_space<semaphore_mem>>) src(%dma_wait3A_158 : memref<128x64xi32, #tpu.memory_space<vmem>>) dst(%dma_wait3A_154 : memref<128x64xi32, #tpu.memory_space<hbm>>)
          "tpu.trace_stop"() : () -> ()
        } else {
        }
      } else {
      }
      tpu.yield
    }) : () -> ()
    return
  }
}

module attributes {stable_mosaic.version = 14 : i64} {
  func.func @_tc_body(%arg0: i32, %arg1: memref<1x10240x64xi32, #tpu.memory_space<vmem>>, %arg2: memref<1x64x128xf32, #tpu.memory_space<vmem>>, %arg3: memref<1x64x128xf32, #tpu.memory_space<vmem>>, %arg4: memref<1x128xf32, #tpu.memory_space<vmem>>, %arg5: memref<1x128xf32, #tpu.memory_space<vmem>>, %arg6: memref<10000x128xf32, #tpu.memory_space<vmem>>, %arg7: memref<10240x128xf32, #tpu.memory_space<vmem>>) attributes {dimension_semantics = [#tpu.dimension_semantics<arbitrary>], iteration_bounds = array<i64: 27>, scalar_prefetch = 0 : i64, scratch_operands = 1 : i64, tpu.core_type = #tpu.core_type<tc>, window_params = [{transform_indices = @transform_0, window_bounds = array<i64: 1, 10240, 64>}, {transform_indices = @transform_1, window_bounds = array<i64: 1, 64, 128>}, {transform_indices = @transform_2, window_bounds = array<i64: 1, 64, 128>}, {pipeline_mode = #tpu.pipeline_mode<synchronous>, transform_indices = @transform_3, window_bounds = array<i64: 1, 128>}, {pipeline_mode = #tpu.pipeline_mode<synchronous>, transform_indices = @transform_4, window_bounds = array<i64: 1, 128>}, {pipeline_mode = #tpu.pipeline_mode<synchronous>, transform_indices = @transform_5, window_bounds = array<i64: 10000, 128>}]} {
    %eq3A = arith.constant 0 : i32
    %eq3A_0 = arith.cmpi eq, %arg0, %eq3A : i32
    %convert_element_type3A = arith.extui %eq3A_0 : i1 to i32
    %cond3A = arith.constant 0 : i32
    %cond3A_1 = arith.cmpi ne, %convert_element_type3A, %cond3A : i32
    scf.if %cond3A_1 {
      %broadcast_in_dim3A = arith.constant 0.000000e+00 : f32
      %broadcast_in_dim3A_39 = vector.broadcast %broadcast_in_dim3A : f32 to vector<10240x128xf32>
      %swap3A_40 = arith.constant 0 : index
      %swap3A_41 = arith.constant 0 : index
      %swap3A_42 = vector.load %arg7[%swap3A_40, %swap3A_41] : memref<10240x128xf32, #tpu.memory_space<vmem>>, vector<10240x128xf32>
      tpu.vector_store %arg7[%swap3A_40, %swap3A_41], %broadcast_in_dim3A_39 {strides = array<i32>} : memref<10240x128xf32, #tpu.memory_space<vmem>>, vector<10240x128xf32>,
    } else {
    }
    %get3A = arith.constant 0 : index
    %get3A_2 = arith.constant 0 : index
    %get3A_3 = arith.constant 0 : index
    %get3A_4 = vector.load %arg1[%get3A, %get3A_2, %get3A_3] : memref<1x10240x64xi32, #tpu.memory_space<vmem>>, vector<1x10240x64xi32>
    %get3A_5 = vector.shape_cast %get3A_4 : vector<1x10240x64xi32> to vector<10240x64xi32>
    %shift_left3A = arith.constant 16 : i32
    %shift_left3A_6 = vector.broadcast %shift_left3A : i32 to vector<10240x64xi32>
    %shift_left3A_7 = arith.shli %get3A_5, %shift_left3A_6 : vector<10240x64xi32>
    %bitcast_convert_type3A = tpu.bitcast %shift_left3A_7 : vector<10240x64xi32> -> vector<10240x64xf32>
    %convert_element_type3A_8 = arith.truncf %bitcast_convert_type3A : vector<10240x64xf32> to vector<10240x64xbf16>
    %and3A = arith.constant -65536 : i32
    %and3A_9 = vector.broadcast %and3A : i32 to vector<10240x64xi32>
    %and3A_10 = arith.andi %get3A_5, %and3A_9 : vector<10240x64xi32>
    %bitcast_convert_type3A_11 = tpu.bitcast %and3A_10 : vector<10240x64xi32> -> vector<10240x64xf32>
    %convert_element_type3A_12 = arith.truncf %bitcast_convert_type3A_11 : vector<10240x64xf32> to vector<10240x64xbf16>
    %get3A_13 = arith.constant 0 : index
    %get3A_14 = arith.constant 0 : index
    %get3A_15 = vector.load %arg7[%get3A_13, %get3A_14] : memref<10240x128xf32, #tpu.memory_space<vmem>>, vector<10240x128xf32>
    %get3A_16 = arith.constant 0 : index
    %get3A_17 = arith.constant 0 : index
    %get3A_18 = arith.constant 0 : index
    %get3A_19 = vector.load %arg2[%get3A_16, %get3A_17, %get3A_18] : memref<1x64x128xf32, #tpu.memory_space<vmem>>, vector<1x64x128xf32>
    %get3A_20 = vector.shape_cast %get3A_19 : vector<1x64x128xf32> to vector<64x128xf32>
    %convert_element_type3A_21 = arith.truncf %get3A_20 : vector<64x128xf32> to vector<64x128xbf16>
    %dot_general3A = arith.constant dense<0.000000e+00> : vector<10240x128xf32>
    %dot_general3A_22 = tpu.matmul %convert_element_type3A_8, %convert_element_type3A_21, %dot_general3A {dimension_numbers = #tpu.dot_dimension_numbers<[1], [0], [0], [1], [0, 0, 1, 1], [], []>, transpose_lhs_hint = false} : vector<10240x64xbf16>, vector<64x128xbf16>, vector<10240x128xf32> -> vector<10240x128xf32>
    %get3A_23 = arith.constant 0 : index
    %get3A_24 = arith.constant 0 : index
    %get3A_25 = arith.constant 0 : index
    %get3A_26 = vector.load %arg3[%get3A_23, %get3A_24, %get3A_25] : memref<1x64x128xf32, #tpu.memory_space<vmem>>, vector<1x64x128xf32>
    %get3A_27 = vector.shape_cast %get3A_26 : vector<1x64x128xf32> to vector<64x128xf32>
    %convert_element_type3A_28 = arith.truncf %get3A_27 : vector<64x128xf32> to vector<64x128xbf16>
    %dot_general3A_29 = arith.constant dense<0.000000e+00> : vector<10240x128xf32>
    %dot_general3A_30 = tpu.matmul %convert_element_type3A_12, %convert_element_type3A_28, %dot_general3A_29 {dimension_numbers = #tpu.dot_dimension_numbers<[1], [0], [0], [1], [0, 0, 1, 1], [], []>, transpose_lhs_hint = false} : vector<10240x64xbf16>, vector<64x128xbf16>, vector<10240x128xf32> -> vector<10240x128xf32>
    %add3A = arith.addf %dot_general3A_22, %dot_general3A_30 : vector<10240x128xf32>
    %add3A_31 = arith.addf %get3A_15, %add3A : vector<10240x128xf32>
    %swap3A = arith.constant 0 : index
    %swap3A_32 = arith.constant 0 : index
    %swap3A_33 = vector.load %arg7[%swap3A, %swap3A_32] : memref<10240x128xf32, #tpu.memory_space<vmem>>, vector<10240x128xf32>
    tpu.vector_store %arg7[%swap3A, %swap3A_32], %add3A_31 {strides = array<i32>} : memref<10240x128xf32, #tpu.memory_space<vmem>>, vector<10240x128xf32>,
    %eq3A_34 = arith.constant 26 : i32
    %eq3A_35 = arith.cmpi eq, %arg0, %eq3A_34 : i32
    %convert_element_type3A_36 = arith.extui %eq3A_35 : i1 to i32
    %cond3A_37 = arith.constant 0 : i32
    %cond3A_38 = arith.cmpi ne, %convert_element_type3A_36, %cond3A_37 : i32
    scf.if %cond3A_38 {
      %get3A_39 = arith.constant 0 : index
      %get3A_40 = arith.constant 0 : index
      %get3A_41 = vector.load %arg7[%get3A_39, %get3A_40] : memref<10240x128xf32, #tpu.memory_space<vmem>>, vector<10240x128xf32>
      %iota3A = tpu.iota {dimensions = array<i32: 0>} : vector<10240x1xi32>
      %lt3A = arith.constant 10000 : i32
      %lt3A_42 = vector.broadcast %lt3A : i32 to vector<10240x1xi32>
      %lt3A_43 = arith.cmpi slt, %iota3A, %lt3A_42 : vector<10240x1xi32>
      %convert_element_type3A_44 = arith.extui %lt3A_43 : vector<10240x1xi1> to vector<10240x1xi32>
      %convert_element_type3A_45 = arith.sitofp %convert_element_type3A_44 : vector<10240x1xi32> to vector<10240x1xf32>
      %mul3A = vector.broadcast %convert_element_type3A_45 : vector<10240x1xf32> to vector<10240x128xf32>
      %mul3A_46 = arith.mulf %get3A_41, %mul3A : vector<10240x128xf32>
      %reduce_sum3A = arith.constant dense<0.000000e+00> : vector<128xf32>
      %reduce_sum3A_47 = vector.multi_reduction <add>, %mul3A_46, %reduce_sum3A [0] : vector<10240x128xf32> to vector<128xf32>
      %broadcast_in_dim3A = vector.shape_cast %reduce_sum3A_47 : vector<128xf32> to vector<1x128xf32>
      %div3A = arith.constant 1.000000e+04 : f32
      %div3A_48 = vector.broadcast %div3A : f32 to vector<1x128xf32>
      %div3A_49 = arith.divf %broadcast_in_dim3A, %div3A_48 : vector<1x128xf32>
      %mul3A_50 = arith.mulf %mul3A_46, %mul3A_46 : vector<10240x128xf32>
      %reduce_sum3A_51 = arith.constant dense<0.000000e+00> : vector<128xf32>
      %reduce_sum3A_52 = vector.multi_reduction <add>, %mul3A_50, %reduce_sum3A_51 [0] : vector<10240x128xf32> to vector<128xf32>
      %broadcast_in_dim3A_53 = vector.shape_cast %reduce_sum3A_52 : vector<128xf32> to vector<1x128xf32>
      %div3A_54 = arith.constant 1.000000e+04 : f32
      %div3A_55 = vector.broadcast %div3A_54 : f32 to vector<1x128xf32>
      %div3A_56 = arith.divf %broadcast_in_dim3A_53, %div3A_55 : vector<1x128xf32>
      %mul3A_57 = arith.mulf %div3A_49, %div3A_49 : vector<1x128xf32>
      %sub3A = arith.subf %div3A_56, %mul3A_57 : vector<1x128xf32>
      %sub3A_58 = vector.broadcast %div3A_49 : vector<1x128xf32> to vector<10240x128xf32>
      %sub3A_59 = arith.subf %get3A_41, %sub3A_58 : vector<10240x128xf32>
      %add3A_60 = arith.constant 9.99999974E-6 : f32
      %add3A_61 = vector.broadcast %add3A_60 : f32 to vector<1x128xf32>
      %add3A_62 = arith.addf %sub3A, %add3A_61 : vector<1x128xf32>
      %rsqrt3A = math.rsqrt %add3A_62 : vector<1x128xf32>
      %mul3A_63 = vector.broadcast %rsqrt3A : vector<1x128xf32> to vector<10240x128xf32>
      %mul3A_64 = arith.mulf %sub3A_59, %mul3A_63 : vector<10240x128xf32>
      %get3A_65 = arith.constant 0 : index
      %get3A_66 = arith.constant 0 : index
      %get3A_67 = vector.load %arg4[%get3A_65, %get3A_66] : memref<1x128xf32, #tpu.memory_space<vmem>>, vector<1x128xf32>
      %mul3A_68 = vector.broadcast %get3A_67 : vector<1x128xf32> to vector<10240x128xf32>
      %mul3A_69 = arith.mulf %mul3A_64, %mul3A_68 : vector<10240x128xf32>
      %get3A_70 = arith.constant 0 : index
      %get3A_71 = arith.constant 0 : index
      %get3A_72 = vector.load %arg5[%get3A_70, %get3A_71] : memref<1x128xf32, #tpu.memory_space<vmem>>, vector<1x128xf32>
      %add3A_73 = vector.broadcast %get3A_72 : vector<1x128xf32> to vector<10240x128xf32>
      %add3A_74 = arith.addf %mul3A_69, %add3A_73 : vector<10240x128xf32>
      %mul3A_75 = arith.constant 5.000000e-01 : f32
      %mul3A_76 = vector.broadcast %mul3A_75 : f32 to vector<10240x128xf32>
      %mul3A_77 = arith.mulf %add3A_74, %mul3A_76 : vector<10240x128xf32>
      %mul3A_78 = arith.constant 0.707106769 : f32
      %mul3A_79 = vector.broadcast %mul3A_78 : f32 to vector<10240x128xf32>
      %mul3A_80 = arith.mulf %add3A_74, %mul3A_79 : vector<10240x128xf32>
      %erf3A = math.erf %mul3A_80 : vector<10240x128xf32>
      %add3A_81 = arith.constant 1.000000e+00 : f32
      %add3A_82 = vector.broadcast %add3A_81 : f32 to vector<10240x128xf32>
      %add3A_83 = arith.addf %add3A_82, %erf3A : vector<10240x128xf32>
      %mul3A_84 = arith.mulf %mul3A_77, %add3A_83 : vector<10240x128xf32>
      %slice3A = vector.extract_strided_slice %mul3A_84 {offsets = [0, 0], sizes = [10000, 128], strides = [1, 1]} : vector<10240x128xf32> to vector<10000x128xf32>
      %swap3A_85 = arith.constant 0 : index
      %swap3A_86 = arith.constant 0 : index
      %swap3A_87 = vector.load %arg6[%swap3A_85, %swap3A_86] : memref<10000x128xf32, #tpu.memory_space<vmem>>, vector<10000x128xf32>
      tpu.vector_store %arg6[%swap3A_85, %swap3A_86], %slice3A {strides = array<i32>} : memref<10000x128xf32, #tpu.memory_space<vmem>>, vector<10000x128xf32>,
    } else {
    }
    return
  }
  func.func @transform_0(%arg0: i32) -> (i32, i32, i32) {
    %c0_i32 = arith.constant 0 : i32
    %c0_i32_0 = arith.constant 0 : i32
    %c0_i32_1 = arith.constant 0 : i32
    return %arg0, %c0_i32, %c0_i32_0 : i32, i32, i32
  }
  func.func @transform_1(%arg0: i32) -> (i32, i32, i32) {
    %c0_i32 = arith.constant 0 : i32
    %c0_i32_0 = arith.constant 0 : i32
    %c0_i32_1 = arith.constant 0 : i32
    return %arg0, %c0_i32, %c0_i32_0 : i32, i32, i32
  }
  func.func @transform_2(%arg0: i32) -> (i32, i32, i32) {
    %c0_i32 = arith.constant 0 : i32
    %c0_i32_0 = arith.constant 0 : i32
    %c0_i32_1 = arith.constant 0 : i32
    return %arg0, %c0_i32, %c0_i32_0 : i32, i32, i32
  }
  func.func @transform_3(%arg0: i32) -> (i32, i32) {
    %c0_i32 = arith.constant 0 : i32
    %c0_i32_0 = arith.constant 0 : i32
    %c0_i32_1 = arith.constant 0 : i32
    return %c0_i32, %c0_i32_0 : i32, i32
  }
  func.func @transform_4(%arg0: i32) -> (i32, i32) {
    %c0_i32 = arith.constant 0 : i32
    %c0_i32_0 = arith.constant 0 : i32
    %c0_i32_1 = arith.constant 0 : i32
    return %c0_i32, %c0_i32_0 : i32, i32
  }
  func.func @transform_5(%arg0: i32) -> (i32, i32) {
    %c0_i32 = arith.constant 0 : i32
    %c0_i32_0 = arith.constant 0 : i32
    %c0_i32_1 = arith.constant 0 : i32
    return %c0_i32, %c0_i32_0 : i32, i32
  }
}

</mosaic_0001>

<sc_bundles>
// kernel: kernel.4.cloned.1.call-start
scs
__scs_entry_jumppad:
0x0: {  	(pc) =	sbr.rel $0x88, $3  }
0x1: {  	(tag) =	ssettag $0x0;
	lr =	simm.s32 $0x1  }
0x2: {  	[smem:$0x3F9C] =	sst lr;
	_ =	strace $0xD0000000  }
0x3: {  	_ = 	snop  }
0x4: {  	_ = 	snop  }
0x5: {  	_ = 	snop  }
0x6: {  	_ = 	snop  }
0x7: {  	_ = 	snop  }
__scs_overlays_trampoline_lowered:
0x8: {  	[smem:$0x3FAB] =	sst s0  }
0x9: {  	[smem:$0x3FAC] =	sst s1  }
0xa: {  	[smem:$0x3FAD] =	sst s2  }
0xb: {  	[smem:$0x3FAE] =	sst s3  }
0xc: {  	[smem:$0x3FAF] =	sst s4  }
0xd: {  	[smem:$0x3FB0] =	sst s5  }
0xe: {  	[smem:$0x3FB1] =	sst s6  }
0xf: {  	[smem:$0x3FB2] =	sst s7  }
0x10: {  	[smem:$0x3FB3] =	sst s8  }
0x11: {  	[smem:$0x3FB4] =	sst s9;
	s0 =	simm.s32 @!p0 $0x0  }
0x12: {  	s1 =	sld [smem:$0x3F9A];
	s0 =	simm.s32 @p0 $0x1  }
0x13: {  	[smem:$0x3FB5] =	sst s0;
	s0 =	simm.s32 @!p1 $0x0  }
0x14: {  	s2 =	sld [smem:$0x3F99];
	s0 =	simm.s32 @p1 $0x1  }
0x15: {  	[smem:$0x3FB6] =	sst s0;
	s0 =	simm.s32 @!p2 $0x0  }
0x16: {  	s3 =	sld [smem:$0x3FDB];
	s0 =	simm.s32 @p2 $0x1  }
0x17: {  	s4 =	simm.s32 $0x1BF5;
	[smem:$0x3FB8] =	sst s0  }
0x18: {  	s0 =	sld [smem:$0x3F9B];
	_ =	swait.ge [sflag:s4], $0x0  }
0x19: {  	s7 =	sld [smem:$0x3F9C]  }
0x1a: {  	s8 =	sadd.s32 $0xFFFFE003, lr  }
0x1b: {  	s9 =	sadd.s32 $0xFFFFFEF7, lr;
	s5 =	simm.s32 $0xFFFFFFFF;
	p2 =	slt.u32 s8, $0xFFFFF086  }
0x1c: {  	p1 =	slt.u32 s9, $0xF7A;
	s5 =	simm.s32 @!p2 $0x0  }
0x1d: {  	s5 =	simm.s32 @p1 $0x1;
	p0 =	seq.s32 s7, s2  }
0x1e: {  	s7 =	smul.u32 @!p0 $0xF7A, s2;
	p2 =	seq.s32 @!p0 s5, $0x0  }
0x1f: {  	s9 =	smul.u32 $0xF7A, s1;
	s8 =	simm.s32 @!p0 $0x1BF5;
	p2 =	por !p2, p0  }
0x20: {  	[sflag:s8] =	ssyncset.s32 @!p0 $0xFFFFF086;
	s6 =	sadd.s32 @!p0 s3, s7;
	s7 =	simm.s32 @!p0 $0x108  }
0x21: {  	s3 =	sadd.s32 s3, s9;
	s6 =	sadd.s32 @!p0 $0x88, s6;
	s7 =	simm.s32 @p2 $0x1082  }
0x22: {  	[simem:s7], [sflag:s8] =	dma.local @!p0 [hbm:s6], $0xF7A  }
0x23: {  	s9 =	sor.u32 $0xD0000000, s2;
	s6 =	simm.s32 $0x108;
	_ =	swait.ge @!p0 [sflag:s8], $0x0  }
0x24: {  	s3 =	sadd.s32 $0x88, s3;
	s6 =	simm.s32 @!p1 $0x1082;
	[sflag:s4] =	ssyncset.s32 $0xFFFFF086  }
0x25: {  	[simem:s6], [sflag:s4] =	dma.local [hbm:s3], $0xF7A  }
0x26: {  	[smem:$0x3F9C] =	sst s1;
	(tag) =	ssettag s2;
	_ =	strace s9  }
0x27: {  	s1 =	sld [smem:$0x3FAC]  }
0x28: {  	s2 =	sld [smem:$0x3FAD]  }
0x29: {  	s4 =	sld [smem:$0x3FAF]  }
0x2a: {  	p0 =	seq.s32 s5, $0x0;
	s5 =	sld [smem:$0x3FB0]  }
0x2b: {  	s6 =	sld [smem:$0x3FB1]  }
0x2c: {  	s7 =	sld [smem:$0x3FB2]  }
0x2d: {  	s3 =	simm.s32 $0x108;
	s8 =	sld [smem:$0x3FB3]  }
0x2e: {  	s3 =	simm.s32 @!p0 $0x1082;
	s9 =	sld [smem:$0x3FB4]  }
0x2f: {  	lr =	sadd.s32 s0, s3;
	s0 =	sld [smem:$0x3FAB]  }
0x30: {  	s3 =	sld [smem:$0x3FAE]  }
0x31: {  	[smem:$0x3FB7] =	sst s10  }
0x32: {  	s10 =	sld [smem:$0x3FB5];
	_ =	sdelay $0x3  }
0x33: {  	p0 =	seq.s32 s10, $0x1;
	s10 =	sld [smem:$0x3FB7];
	_ =	sdelay $0x3  }
0x34: {  	[smem:$0x3FB7] =	sst s10  }
0x35: {  	s10 =	sld [smem:$0x3FB6];
	_ =	sdelay $0x3  }
0x36: {  	p1 =	seq.s32 s10, $0x1;
	s10 =	sld [smem:$0x3FB7];
	_ =	sdelay $0x3  }
0x37: {  	[smem:$0x3FB7] =	sst s10  }
0x38: {  	s10 =	sld [smem:$0x3FB8]  }
0x39: {  	_ = 	snop;
	(pc) =	sbr.ind lr, $3  }
0x3a: {  	_ = 	snop  }
0x3b: {  	_ = 	snop  }
0x3c: {  	p2 =	seq.s32 s10, $0x1;
	s10 =	sld [smem:$0x3FB7]  }
0x3d: {  	_ =	shalt  }
0x3e: {  	_ =	shalt  }
0x3f: {  	_ =	shalt  }
0x40: {  	_ =	shalt  }
0x41: {  	_ =	shalt  }
0x42: {  	_ =	shalt  }
0x43: {  	_ =	shalt  }
0x44: {  	_ =	shalt  }
0x45: {  	_ =	shalt  }
0x46: {  	_ =	shalt  }
0x47: {  	_ =	shalt  }
0x48: {  	_ =	shalt  }
0x49: {  	_ =	shalt  }
0x4a: {  	_ =	shalt  }
0x4b: {  	_ =	shalt  }
0x4c: {  	_ =	shalt  }
0x4d: {  	_ =	shalt  }
0x4e: {  	_ =	shalt  }
0x4f: {  	_ =	shalt  }
0x50: {  	_ =	shalt  }
0x51: {  	_ =	shalt  }
0x52: {  	_ =	shalt  }
0x53: {  	_ =	shalt  }
0x54: {  	_ =	shalt  }
0x55: {  	_ =	shalt  }
0x56: {  	_ =	shalt  }
0x57: {  	_ =	shalt  }
0x58: {  	_ =	shalt  }
0x59: {  	_ =	shalt  }
0x5a: {  	_ =	shalt  }
0x5b: {  	_ =	shalt  }
0x5c: {  	_ =	shalt  }
0x5d: {  	_ =	shalt  }
0x5e: {  	_ =	shalt  }
0x5f: {  	_ =	shalt  }
0x60: {  	_ =	shalt  }
0x61: {  	_ =	shalt  }
0x62: {  	_ =	shalt  }
0x63: {  	_ =	shalt  }
0x64: {  	_ =	shalt  }
0x65: {  	_ =	shalt  }
0x66: {  	_ =	shalt  }
0x67: {  	_ =	shalt  }
0x68: {  	_ =	shalt  }
0x69: {  	_ =	shalt  }
0x6a: {  	_ =	shalt  }
0x6b: {  	_ =	shalt  }
0x6c: {  	_ =	shalt  }
0x6d: {  	_ =	shalt  }
0x6e: {  	_ =	shalt  }
0x6f: {  	_ =	shalt  }
0x70: {  	_ =	shalt  }
0x71: {  	_ =	shalt  }
0x72: {  	_ =	shalt  }
0x73: {  	_ =	shalt  }
0x74: {  	_ =	shalt  }
0x75: {  	_ =	shalt  }
0x76: {  	_ =	shalt  }
0x77: {  	_ =	shalt  }
0x78: {  	_ =	shalt  }
0x79: {  	_ =	shalt  }
0x7a: {  	_ =	shalt  }
0x7b: {  	_ =	shalt  }
0x7c: {  	_ =	shalt  }
0x7d: {  	_ =	shalt  }
0x7e: {  	_ =	shalt  }
0x7f: {  	_ =	shalt  }
0x80: {  	_ =	shalt  }
0x81: {  	_ =	shalt  }
0x82: {  	_ =	shalt  }
0x83: {  	_ =	shalt  }
0x84: {  	_ =	shalt  }
0x85: {  	_ =	shalt  }
0x86: {  	_ =	shalt  }
0x87: {  	_ =	shalt  }
.Lfunc_end0:
.L_simem_size_0:
called_computation_lowered:
.L_overlay_start_0:
0x88: {  	s2 =	sld [smem:$0x3FD9]  }
0x89: {  	s3 =	sld [smem:$0x3FFE];
	_ =	sdelay $0x1  }
0x8a: {  	s1 =	srdreg.scid  }
0x8b: {  	s0 =	sand.u32 $0x1, s1  }
0x8c: {  	s17 =	sshll.u32 s0, $0xA;
	s2 =	sadd.s32 s3, s2  }
0x8d: {  	s2 =	sadd.s32 s2, s17  }
0x8e: {  	[smem:$0x3FC3] =	sst s2  }
0x8f: {  	_ = 	snop  }
0x90: {  	s2 =	sld [smem:$0x3FD0];
	(tm) =	ssettm $0x1  }
0x91: {  	s18 =	sld [smem:$0x3FFB];
	_ =	sdelay $0x3  }
0x92: {  	_ =	strace s18  }
0x93: {  	s3 =	sld [smem:$0x3FFC];
	_ =	sdelay $0x3  }
0x94: {  	_ =	strace s3  }
0x95: {  	s3 =	sld [smem:$0x3FFD];
	_ =	sdelay $0x3  }
0x96: {  	_ =	strace s3  }
0x97: {  	_ =	strace $0x8FFFFFFF  }
0x98: {  	s19 =	sld [smem:$0x3FDB];
	_ =	sdelay $0x1  }
0x99: {  	s4 =	simm.s32 $_scs_section_size  }
0x9a: {  	s5 =	simm.s32 $_size__tile_overlayer_lowered;
	s6 =	simm.s32 $_tile_overlayer_lowered  }
0x9b: {  	s22 =	simm.s32 $0x1BFF;
	s21 =	sshll.u32 s6, $0x1;
	s3 =	sadd.s32 s4, s19  }
0x9c: {  	s7 =	simm.s32 $0x0;
	s20 =	sshll.u32 s5, $0x1;
	s5 =	sadd.s32 s21, s3  }
0x9d: {  	[timem:s7], [sflag:s22] =	dma.local [hbm:s5], s20  }
0x9e: {  	_ =	swait.ge [sflag:s22], s20  }
0x9f: {  	s4 =	ssub.s32 $0x0, s20;
	[sflag:s22] =	ssyncset.done $0x0  }
0xa0: {  	[sflag:s22] =	ssyncadd.s32 s4;
	_ =	sdelay $0x1  }
0xa1: {  	s23 =	simm.s32 $0x1B8B  }
0xa2: {  	_ =	swait.ge [sflag:s23], $0x1  }
0xa3: {  	[sflag:s23] =	ssyncset.done $0x0  }
0xa4: {  	s25 =	simm.s32 $0x1B8E;
	s24 =	sld [smem:$0x3FFE];
	[sflag:s23] =	ssyncadd.s32 $0xFFFFFFFF  }
0xa5: {  	s26 =	simm.s32 $execute0_lowered;
	[smem:$0x3FD2] =	sst s25  }
0xa6: {  	s5 =	sshll.u32 s26, $0x1;
	_ =	strace $0x80000046;
	[dreg:$0x1] =	wrdreg $0xFFFFFFFF  }
0xa7: {  	s28 =	simm.s32 $_size_execute0_lowered;
	s3 =	sadd.s32 s3, s5;
	[dreg:$0x0] =	wrdreg $0x0  }
0xa8: {  	s5 =	sshll.u32 s28, $0x1;
	[dreg:$0x2] =	wrdreg s3  }
0xa9: {  	[dreg:$0x3] =	wrdreg s5  }
0xaa: {  	[dreg:$0x4] =	wrdreg $0xC0  }
0xab: {  	_ =	task [dreg:s7], $0x5FFFF  }
0xac: {  	[dreg:$0x1] =	wrdreg $0xFFFFFFFF  }
0xad: {  	[dreg:$0x0] =	wrdreg $0x60  }
0xae: {  	[dreg:$0x2] =	wrdreg s2  }
0xaf: {  	[dreg:$0x3] =	wrdreg s24  }
0xb0: {  	[dreg:$0x4] =	wrdreg $0x0  }
0xb1: {  	[dreg:$0x5] =	wrdreg $0x9  }
0xb2: {  	_ =	task.clear_ibuf [dreg:s7], $0x6FFFF;
	_ =	strace $0x90000046  }
0xb3: {  	s29 =	simm.s32 $0x9;
	_ =	strace $0x8000004F  }
0xb4: {  	_ =	swait.ge [sflag:s29], $0x1  }
0xb5: {  	[sflag:s29] =	ssyncadd.s32 $0xFFFFFFFF  }
0xb6: {  	_ =	strace $0x9000004F  }
0xb7: {  	_ =	sfence  }
0xb8: {  	s30 =	sld [smem:$0x0];
	_ =	sdelay $0x2  }
0xb9: {  	s31 =	sshll.u32 s1, $0xD;
	s1 =	sshrl.u32 s1, $0x2  }
0xba: {  	s3 =	sand.u32 $0x4000, s31;
	s1 =	sadd.s32 s1, s30  }
0xbb: {  	s0 =	sor.u32 s3, s0;
	s1 =	sshll.u32 s1, $0x11  }
0xbc: {  	s0 =	sor.u32 s1, s0  }
0xbd: {  	s0 =	sadd.s32 $0x8F2B, s0  }
0xbe: {  	[sflag:s0] =	ssyncadd.remote.s32 $0x1  }
0xbf: {  	_ =	sfence.sel $0xFFFF  }
0xc0: {  	[dreg:$0x0] =	wrdreg $0xFFFFFFFF;
	(pc) =	sbr.abs _section_cstart, $3  }
0xc1: {  	[dreg:$0x1] =	wrdreg $0xFFFFFFFF  }
0xc2: {  	_ =	task.clear_ibuf [dreg:s7], $0x2FFFF;
	_ =	strace $0x9FFFFFFF  }
0xc3: {  	(tm) =	ssettm $0x7FFFFFFF  }
tec
execute0_lowered:
.L_overlay_start_1:
0x0: {  	(tag) =	ssettag $0x1  }
0x1: {  	s0 =	rddreg [dreg:$0x0]  }
0x2: {  	s2 =	rddreg [dreg:$0x1]  }
0x3: {  	s1 =	rddreg [dreg:$0x2];
	s4 =	srdreg.scid;
	s3 =	simm.s32 $0x0  }
0x4: {  	s13 =	stileid.u32;
	s14 =	simm.s32 $0x1;
	s31 =	simm.s32 $0x80  }
0x5: {  	s15 =	simm.s32 $0x5;
	s16 =	simm.s32 $0x0;
	s6 =	sand.u32 $0x1, s4  }
0x6: {  	[smem:$0x7FF] =	sst s3;
	s11 =	smul.u32 $0xA000, s13;
	s29 =	sshll.u32 s13, $0x6  }
0x7: {  	s4 =	sshll.u32 s6, $0x4;
	_ =	strace $0x80000047;
	s7 =	ssub.s32 $0x2, s6  }
0x8: {  	p0 =	seq.s32 s6, $0x0;
	[dreg:$0x4] =	wrdreg s31;
	s5 =	sor.u32 s13, s4  }
0x9: {  	s4 =	sadd.s32 $0x800, s2;
	s2 =	sadd.s32 $0x9000, s2;
	s8 =	smul.u32 $0x43, s5  }
0xa: {  	s9 =	sshrl.u32 s7, $0x1;
	s12 =	sadd.s32 s11, s1;
	s10 =	smul.u32 $0x44, s5  }
0xb: {  	s26 =	sshrl.u32 s11, $0x3;
	[dreg:$0x5] =	wrdreg s2;
	s5 =	sadd.s32 $0x10, s8  }
0xc: {  	s25 =	ssub.s32 s7, s9;
	s0 =	sadd.s32 s0, s26;
	s5 =	smov.u32 @p0 s10  }
0xd: {  	s7 =	sor.u32 $0x1C01, s29;
	s12 =	sshrl.u32 s12, $0x3;
	s28 =	sshll.u32 s5, $0x4  }
0xe: {  	[dreg:$0x6] =	wrdreg s0;
	s11 =	smax.u32 s25, $0x1;
	s30 =	sand.u32 $0x1FFFFFF0, s28  }
0xf: {  	s8 =	ssub.s32 $0x44, s6;
	s10 =	sxor.u32 $0x43, s6;
	s9 =	sadd.s32 s4, s30  }
.LBB2_1:
0x10: {  	s0 =	rddreg [dreg:$0x6]  }
0x11: {  	[spmem:s12], [sflag:s7] =	dma.local [hbm:s0], $0x1400  }
0x12: {  	_ =	swait.ge [sflag:s14], $0x1400  }
0x13: {  	p1 =	sne.s32 s8, $0x1;
	[sflag:s14] =	ssyncset.done $0x0  }
.Ltmp0:
0x14: {  	[sflag:s14] =	ssyncadd.s32 $0xFFFFEC00;
	(pc) =	sbr.rel @!p1 .LBB2_2-.Ltmp0, $4  }
0x15: {  	s31 =	simm.s32 $0xA000;
	s18 =	simm.s32 $0x1;
	[bflag:$0x0] =	sbarrier.arrive $0xFFFF  }
0x16: {  	s17 =	simm.s32 $0x1;
	s26 =	sand.u32 $0x1, s3;
	_ =	strace $0x80000048  }
0x17: {  	[tilespmem:s31], [sflag:$0x1] =	stream.linear.gather [hbm4b:s9+s3], $0x80, $0x200038;
	[tilespmem:$0xE100] =	vst v63  }
0x18: {  	s24 =	simm.s32 $0x0;
	p0 =	por $0x0, $0x0;
	_ =	strace $0x90000048  }
0x19: {  	p0 =	seq.s32 s8, $0x1  }
0x1a: {  	s18 =	simm.s32 @p0 $0x0  }
0x1b: {  	p1 =	sgt.u32 s10, $0x0;
	p0 =	sne.s32 s18, $0x0  }
0x1c: {  	p1 =	por !p1, !p0  }
0x1d: {  	p1 =	por !p1, !p1  }
0x1e: {  	s2 =	sadd.s32 @p1 s5, s18  }
0x1f: {  	s0 =	sand.u32 @p1 $0x1, s14;
	_ =	strace @p1 $0x80000049;
	s2 =	sshll.u32 @p1 s2, $0x4  }
0x20: {  	s13 =	simm.s32 @p1 $0x0;
	s6 =	sshll.u32 @p1 s0, $0x7;
	s2 =	sand.u32 @p1 $0x1FFFFFF0, s2  }
0x21: {  	s0 =	sadd.s32 @p1 $0x1, s0;
	s6 =	sor.u32 @p1 $0xA000, s6;
	s2 =	sadd.s32 @p1 s4, s2  }
0x22: {  	[tilespmem:s6], [sflag:s0] =	stream.linear.gather @p1 [hbm4b:s2+s13], $0x80, $0x200038;
	[tilespmem:$0xE100] =	vst v63  }
0x23: {  	_ =	strace @p1 $0x90000049  }
0x24: {  	s21 =	sadd.s32 $0x1, s26;
	_ =	strace $0x8000004A  }
0x25: {  	_ =	swait.ge [sflag:s21], $0x80  }
0x26: {  	[sflag:s21] =	ssyncset.done $0x0  }
0x27: {  	[sflag:s21] =	ssyncadd.s32 $0xFFFFFF80  }
0x28: {  	_ =	strace $0x9000004A  }
0x29: {  	s22 =	sand.u32 $0x80, s24;
	_ =	strace $0x8000004B  }
0x2a: {  	v0 =	vld [tilespmem:s22+$0xA070]  }
0x2b: {  	v1 =	vld [tilespmem:s22+$0xA060]  }
0x2c: {  	v2 =	vld [tilespmem:s22+$0xA050]  }
0x2d: {  	v3 =	vld [tilespmem:s22+$0xA030]  }
0x2e: {  	v4 =	vld [tilespmem:s22+$0xA020]  }
0x2f: {  	v5 =	vld [tilespmem:s22+$0xA010];
	vm0 =	vgt.s32 v0, $0xFFFFFFFF  }
0x30: {  	v6 =	vld [tilespmem:s22+$0xA040];
	vm1 =	vgt.s32 v1, $0xFFFFFFFF;
	v0 =	vnsel vm0, $0x2710, v0  }
0x31: {  	v7 =	vld [tilespmem:s22+$0xA000];
	vm10 =	vgt.s32 v2, $0xFFFFFFFF;
	v1 =	vnsel vm1, $0x2710, v1;
	[tilespmem:s22+$0xA070] =	vst v0  }
0x32: {  	s23 =	simm.s32 $0x2;
	p4 =	sne.s32 s8, $0x2;
	vm11 =	vgt.s32 v3, $0xFFFFFFFF;
	v58 =	vnsel vm10, $0x2710, v2;
	[tilespmem:s22+$0xA060] =	vst v1  }
0x33: {  	s25 =	sshll.u32 s26, $0xD;
	p2 =	por $0x1, $0x1;
	p3 =	seq.s32 s10, $0x0;
	vm12 =	vgt.s32 v4, $0xFFFFFFFF;
	v59 =	vnsel vm11, $0x2710, v3;
	[tilespmem:s22+$0xA050] =	vst v58  }
0x34: {  	s28 =	simm.s32 $0x1;
	s19 =	sor.u32 $0xA000, s22;
	s30 =	sadd.s32 $0xA100, s25;
	vm13 =	vgt.s32 v5, $0xFFFFFFFF;
	v60 =	vnsel vm12, $0x2710, v4;
	[tilespmem:s22+$0xA030] =	vst v59  }
0x35: {  	p3 =	por p3, p0;
	p0 =	por $0x1, $0x1;
	s2 =	simm.s32 $0x1;
	vm14 =	vgt.s32 v6, $0xFFFFFFFF;
	v61 =	vnsel vm13, $0x2710, v5;
	[tilespmem:s22+$0xA020] =	vst v60  }
0x36: {  	s0 =	sand.u32 @!p2 $0x1, s3;
	s13 =	simm.s32 @p3 $0x0;
	s2 =	simm.s32 @!p1 $0x0;
	vm15 =	vgt.s32 v7, $0xFFFFFFFF;
	v62 =	vnsel vm14, $0x2710, v6;
	[tilespmem:s22+$0xA010] =	vst v61  }
0x37: {  	s29 =	sadd.s32 @!p2 $0x3, s0;
	p1 =	por $0x0, $0x0;
	s0 =	sadd.s32 $0x0, s5;
	v63 =	vnsel vm15, $0x2710, v7;
	[tilespmem:s22+$0xA040] =	vst v62  }
0x38: {  	s6 =	sshll.u32 @p3 s0, $0xA;
	s28 =	simm.s32 @!p1 $0x0;
	s24 =	rddreg [dreg:$0x4];
	[tilespmem:s22+$0xA000] =	vst v63  }
0x39: {  	[tilespmem:s30], [sflag:$0x5] =	stream.indirect.gather [spmem:s1], $0x40, s19, s24, $0x2000b8;
	[tilespmem:$0xE100] =	vst v63  }
0x3a: {  	s6 =	sand.u32 @p3 $0x1FFFFC00, s6;
	s22 =	sadd.s32 $0x1, s2;
	_ =	swait.ge [sflag:s15], $0x2000  }
.Ltmp1:
0x3b: {  	s2 =	simm.s32 $0x1;
	[sflag:s15] =	ssyncset.done $0x0;
	(pc) =	sbr.rel @!p4 .LBB2_4-.Ltmp1, $4  }
0x3c: {  	s21 =	sadd.s32 $0x1, s18;
	s2 =	simm.s32 @!p3 $0x0;
	[sflag:s15] =	ssyncadd.s32 $0xFFFFE000  }
0x3d: {  	s19 =	simm.s32 $0x0;
	s20 =	sadd.s32 $0x0, s2;
	_ =	strace $0x9000004B  }
0x3e: {  	s25 =	sadd.s32 $0x0, s2;
	s2 =	sadd.s32 @p3 $0x3, s26;
	_ =	strace @p3 $0x8000004C  }
0x3f: {  	s31 =	sand.u32 $0x1, s25;
	s24 =	sshll.u32 s25, $0x7;
	s0 =	rddreg [dreg:$0x5]  }
.LBB2_5:
0x40: {  	p1 =	seq.s32 s21, s8;
	s0 =	sadd.s32 @p3 s0, s6  }
0x41: {  	s19 =	sadd.s32 s28, s19;
	s26 =	smov.u32 s18;
	s18 =	smov.u32 s21  }
0x42: {  	[hbm4b:s0+s13] =	stream.linear.scatter @p3 [tilespmem:s30], [sflag:s2], $0x2000, $0x200038;
	[tilespmem:$0xE100] =	vst v63  }
0x43: {  	s28 =	smov.u32 s17;
	s18 =	simm.s32 @p1 $0x0;
	_ =	strace @p3 $0x9000004C  }
0x44: {  	p5 =	slt.u32 s28, s10;
	p6 =	sne.s32 s26, s18;
	_ =	strace @!p2 $0x8000004D  }
0x45: {  	p4 =	por !p5, !p6;
	_ =	swait.ge @!p2 [sflag:s29], $0x2000  }
0x46: {  	p4 =	por !p4, !p4;
	[sflag:s29] =	ssyncset.done @!p2 $0x0  }
0x47: {  	s0 =	sand.u32 @p4 $0x1, s22;
	s2 =	sadd.s32 @p4 s5, s18;
	s13 =	simm.s32 @p4 $0x0  }
0x48: {  	[sflag:s29] =	ssyncadd.s32 @!p2 $0xFFFFE000;
	s6 =	sshll.u32 @p4 s0, $0x7;
	s2 =	sshll.u32 @p4 s2, $0x4  }
0x49: {  	s0 =	sadd.s32 @p4 $0x1, s0;
	_ =	strace @!p2 $0x9000004D;
	s2 =	sand.u32 @p4 $0x1FFFFFF0, s2  }
0x4a: {  	s6 =	sor.u32 @p4 $0xA000, s6;
	_ =	strace @p4 $0x80000049;
	s2 =	sadd.s32 @p4 s4, s2  }
0x4b: {  	[tilespmem:s6], [sflag:s0] =	stream.linear.gather @p4 [hbm4b:s2+s13], $0x80, $0x200038;
	[tilespmem:$0xE100] =	vst v63  }
0x4c: {  	_ =	strace @p4 $0x90000049  }
0x4d: {  	s13 =	sadd.s32 $0x1, s31;
	_ =	strace $0x8000004A  }
0x4e: {  	_ =	swait.ge [sflag:s13], $0x80  }
0x4f: {  	[sflag:s13] =	ssyncset.done $0x0  }
0x50: {  	s0 =	simm.s32 $0x1;
	[sflag:s13] =	ssyncadd.s32 $0xFFFFFF80  }
0x51: {  	s0 =	simm.s32 @!p4 $0x0;
	_ =	strace $0x9000004A  }
0x52: {  	s22 =	sadd.s32 s0, s22;
	s0 =	sand.u32 $0x80, s24;
	_ =	strace $0x8000004B  }
0x53: {  	v0 =	vld [tilespmem:s0+$0xA070]  }
0x54: {  	v1 =	vld [tilespmem:s0+$0xA060]  }
0x55: {  	v2 =	vld [tilespmem:s0+$0xA050]  }
0x56: {  	v3 =	vld [tilespmem:s0+$0xA030]  }
0x57: {  	v4 =	vld [tilespmem:s0+$0xA020]  }
0x58: {  	v5 =	vld [tilespmem:s0+$0xA010];
	vm0 =	vgt.s32 v0, $0xFFFFFFFF  }
0x59: {  	v6 =	vld [tilespmem:s0+$0xA040];
	vm1 =	vgt.s32 v1, $0xFFFFFFFF;
	v0 =	vnsel vm0, $0x2710, v0  }
0x5a: {  	v7 =	vld [tilespmem:s0+$0xA000];
	vm10 =	vgt.s32 v2, $0xFFFFFFFF;
	v1 =	vnsel vm1, $0x2710, v1;
	[tilespmem:s0+$0xA070] =	vst v0  }
0x5b: {  	vm11 =	vgt.s32 v3, $0xFFFFFFFF;
	v58 =	vnsel vm10, $0x2710, v2;
	[tilespmem:s0+$0xA060] =	vst v1  }
0x5c: {  	s17 =	smov.u32 s23;
	s23 =	sadd.s32 $0x1, s23;
	vm12 =	vgt.s32 v4, $0xFFFFFFFF;
	v59 =	vnsel vm11, $0x2710, v3;
	[tilespmem:s0+$0xA050] =	vst v58  }
0x5d: {  	p1 =	sne.s32 s8, s23;
	s21 =	sadd.s32 $0x1, s18;
	p5 =	seq.s32 s10, s28;
	vm13 =	vgt.s32 v5, $0xFFFFFFFF;
	v60 =	vnsel vm12, $0x2710, v4;
	[tilespmem:s0+$0xA030] =	vst v59  }
0x5e: {  	p3 =	por p5, p6;
	p2 =	seq.s32 s28, $0x0;
	s2 =	sand.u32 $0x1, s20;
	vm14 =	vgt.s32 v6, $0xFFFFFFFF;
	v61 =	vnsel vm13, $0x2710, v5;
	[tilespmem:s0+$0xA020] =	vst v60  }
0x5f: {  	p4 =	sne.s32 s28, $0x0;
	s28 =	simm.s32 $0x1;
	s13 =	sshll.u32 s2, $0xD;
	vm15 =	vgt.s32 v7, $0xFFFFFFFF;
	v62 =	vnsel vm14, $0x2710, v6;
	[tilespmem:s0+$0xA010] =	vst v61  }
0x60: {  	s28 =	simm.s32 @!p4 $0x0;
	s30 =	sadd.s32 $0xA100, s13;
	s13 =	simm.s32 $0x1;
	v63 =	vnsel vm15, $0x2710, v7;
	[tilespmem:s0+$0xA040] =	vst v62  }
0x61: {  	s24 =	sor.u32 $0xA000, s0;
	s13 =	simm.s32 @!p3 $0x0;
	s6 =	rddreg [dreg:$0x4];
	[tilespmem:s0+$0xA000] =	vst v63  }
0x62: {  	[tilespmem:s30], [sflag:$0x5] =	stream.indirect.gather [spmem:s1], $0x40, s24, s6, $0x2000b8;
	[tilespmem:$0xE100] =	vst v63  }
0x63: {  	s2 =	sadd.s32 @p3 $0x3, s2;
	s20 =	sadd.s32 s13, s20;
	_ =	swait.ge [sflag:s15], $0x2000  }
.Ltmp2:
0x64: {  	s25 =	sadd.s32 s13, s25;
	[sflag:s15] =	ssyncset.done $0x0;
	(pc) =	sbr.rel @p1 .LBB2_5-.Ltmp2, $4  }
0x65: {  	s13 =	simm.s32 @p3 $0x0;
	s0 =	sand.u32 @!p2 $0x1, s19;
	[sflag:s15] =	ssyncadd.s32 $0xFFFFE000  }
0x66: {  	s29 =	sadd.s32 @!p2 $0x3, s0;
	s0 =	sadd.s32 s5, s26;
	_ =	strace $0x9000004B  }
0x67: {  	s31 =	sand.u32 $0x1, s25;
	s6 =	sshll.u32 @p3 s0, $0xA;
	_ =	strace @p3 $0x8000004C  }
0x68: {  	s24 =	sshll.u32 s25, $0x7;
	s6 =	sand.u32 @p3 $0x1FFFFC00, s6;
	s0 =	rddreg [dreg:$0x5]  }
0x69: {  	s26 =	smov.u32 s31  }
.LBB2_7:
0x6a: {  	p1 =	por !p3, !p0;
	p3 =	seq.s32 s21, s8  }
0x6b: {  	s0 =	sadd.s32 @!p1 s0, s6;
	s21 =	simm.s32 @p3 $0x0  }
0x6c: {  	[hbm4b:s0+s13] =	stream.linear.scatter @!p1 [tilespmem:s30], [sflag:s2], $0x2000, $0x200038;
	[tilespmem:$0xE100] =	vst v63  }
0x6d: {  	p4 =	slt.u32 s17, s10;
	p5 =	sne.s32 s18, s21  }
0x6e: {  	p3 =	por p2, !p0;
	_ =	strace @!p1 $0x9000004C;
	p2 =	por !p4, !p5  }
0x6f: {  	_ =	strace @!p3 $0x8000004D;
	p2 =	por !p2, !p2  }
0x70: {  	_ =	swait.ge @!p3 [sflag:s29], $0x2000;
	s0 =	sand.u32 @p2 $0x1, s22  }
0x71: {  	s2 =	sadd.s32 @p2 s5, s21;
	s13 =	simm.s32 @p2 $0x0;
	[sflag:s29] =	ssyncset.done @!p3 $0x0  }
0x72: {  	s6 =	sshll.u32 @p2 s0, $0x7;
	s2 =	sshll.u32 @p2 s2, $0x4;
	[sflag:s29] =	ssyncadd.s32 @!p3 $0xFFFFE000  }
0x73: {  	s0 =	sadd.s32 @p2 $0x1, s0;
	s2 =	sand.u32 @p2 $0x1FFFFFF0, s2;
	_ =	strace @!p3 $0x9000004D  }
0x74: {  	s6 =	sor.u32 @p2 $0xA000, s6;
	s2 =	sadd.s32 @p2 s4, s2;
	_ =	strace @p2 $0x80000049  }
0x75: {  	[tilespmem:s6], [sflag:s0] =	stream.linear.gather @p2 [hbm4b:s2+s13], $0x80, $0x200038;
	[tilespmem:$0xE100] =	vst v63  }
0x76: {  	_ =	strace @p2 $0x90000049  }
0x77: {  	s23 =	sadd.s32 $0x1, s26;
	_ =	strace $0x8000004A  }
0x78: {  	_ =	swait.ge [sflag:s23], $0x80  }
0x79: {  	[sflag:s23] =	ssyncset.done $0x0  }
0x7a: {  	[sflag:s23] =	ssyncadd.s32 $0xFFFFFF80  }
0x7b: {  	_ =	strace $0x9000004A  }
0x7c: {  	s25 =	sand.u32 $0x80, s24;
	_ =	strace $0x8000004B  }
0x7d: {  	v0 =	vld [tilespmem:s25+$0xA070]  }
0x7e: {  	v1 =	vld [tilespmem:s25+$0xA060]  }
0x7f: {  	v2 =	vld [tilespmem:s25+$0xA050]  }
0x80: {  	v3 =	vld [tilespmem:s25+$0xA030]  }
0x81: {  	v4 =	vld [tilespmem:s25+$0xA020]  }
0x82: {  	v5 =	vld [tilespmem:s25+$0xA010];
	vm0 =	vgt.s32 v0, $0xFFFFFFFF  }
0x83: {  	v6 =	vld [tilespmem:s25+$0xA040];
	vm1 =	vgt.s32 v1, $0xFFFFFFFF;
	v0 =	vnsel vm0, $0x2710, v0  }
0x84: {  	v7 =	vld [tilespmem:s25+$0xA000];
	vm10 =	vgt.s32 v2, $0xFFFFFFFF;
	v1 =	vnsel vm1, $0x2710, v1;
	[tilespmem:s25+$0xA070] =	vst v0  }
0x85: {  	vm11 =	vgt.s32 v3, $0xFFFFFFFF;
	v58 =	vnsel vm10, $0x2710, v2;
	[tilespmem:s25+$0xA060] =	vst v1  }
0x86: {  	vm12 =	vgt.s32 v4, $0xFFFFFFFF;
	v59 =	vnsel vm11, $0x2710, v3;
	[tilespmem:s25+$0xA050] =	vst v58  }
0x87: {  	vm13 =	vgt.s32 v5, $0xFFFFFFFF;
	v60 =	vnsel vm12, $0x2710, v4;
	[tilespmem:s25+$0xA030] =	vst v59  }
0x88: {  	vm14 =	vgt.s32 v6, $0xFFFFFFFF;
	v61 =	vnsel vm13, $0x2710, v5;
	[tilespmem:s25+$0xA020] =	vst v60  }
0x89: {  	s2 =	sand.u32 $0x1, s20;
	vm15 =	vgt.s32 v7, $0xFFFFFFFF;
	v62 =	vnsel vm14, $0x2710, v6;
	[tilespmem:s25+$0xA010] =	vst v61  }
0x8a: {  	s29 =	sshll.u32 s2, $0xD;
	v63 =	vnsel vm15, $0x2710, v7;
	[tilespmem:s25+$0xA040] =	vst v62  }
0x8b: {  	s30 =	sor.u32 $0xA000, s25;
	s0 =	sadd.s32 $0xA100, s29;
	s26 =	rddreg [dreg:$0x4];
	[tilespmem:s25+$0xA000] =	vst v63  }
0x8c: {  	[tilespmem:s0], [sflag:$0x5] =	stream.indirect.gather [spmem:s1], $0x40, s30, s26, $0x2000b8;
	[tilespmem:$0xE100] =	vst v63  }
0x8d: {  	_ =	swait.ge [sflag:s15], $0x2000  }
0x8e: {  	p6 =	seq.s32 s10, s17;
	[sflag:s15] =	ssyncset.done $0x0  }
0x8f: {  	p1 =	seq.s32 s17, $0x0;
	s6 =	sadd.s32 s5, s18;
	[sflag:s15] =	ssyncadd.s32 $0xFFFFE000  }
0x90: {  	s18 =	sadd.s32 @p0 s28, s19;
	p2 =	por p6, p5;
	_ =	strace $0x9000004B  }
0x91: {  	s19 =	simm.s32 $0x0;
	s6 =	sshll.u32 @p2 s6, $0xA;
	_ =	strace @p2 $0x8000004C  }
0x92: {  	s19 =	smov.u32 @p0 s18;
	s6 =	sand.u32 @p2 $0x1FFFFC00, s6;
	s13 =	rddreg [dreg:$0x5]  }
0x93: {  	s2 =	sadd.s32 @p2 $0x3, s2;
	s18 =	simm.s32 @p2 $0x0;
	s6 =	sadd.s32 @p2 s13, s6  }
0x94: {  	[hbm4b:s6+s18] =	stream.linear.scatter @p2 [tilespmem:s0], [sflag:s2], $0x2000, $0x200038;
	[tilespmem:$0xE100] =	vst v63  }
0x95: {  	s0 =	sand.u32 @!p1 $0x1, s19;
	_ =	strace @p2 $0x9000004C  }
0x96: {  	s0 =	sadd.s32 @!p1 $0x3, s0;
	_ =	strace @!p1 $0x8000004D  }
0x97: {  	p0 =	sne.s32 s17, $0x0;
	s2 =	simm.s32 $0x1;
	_ =	swait.ge @!p1 [sflag:s0], $0x2000  }
0x98: {  	s2 =	simm.s32 @!p0 $0x0;
	[sflag:s0] =	ssyncset.done @!p1 $0x0  }
0x99: {  	s16 =	sadd.s32 $0x1, s16;
	s2 =	sadd.s32 s2, s19;
	[sflag:s0] =	ssyncadd.s32 @!p1 $0xFFFFE000  }
0x9a: {  	p0 =	sne.s32 s16, s11;
	s31 =	sand.u32 $0x1, s2;
	_ =	strace @!p1 $0x9000004D  }
.Ltmp3:
0x9b: {  	s0 =	sadd.s32 $0x3, s31;
	_ =	strace $0x8000004E;
	(pc) =	sbr.rel @p0 .LBB2_1-.Ltmp3, $4  }
.Ltmp4:
0x9c: {  	_ =	swait.ge [sflag:s0], $0x2000;
	(pc) =	sbr.rel @!p0 .LBB2_8-.Ltmp4, $4  }
0x9d: {  	[sflag:s0] =	ssyncset.done $0x0  }
0x9e: {  	[sflag:s0] =	ssyncadd.s32 $0xFFFFE000  }
0x9f: {  	_ =	strace $0x9000004E  }
0xa0: {  	_ = 	snop  }
.LBB2_2:
.Ltmp5:
0xa1: {  	(pc) =	sbr.rel .LBB2_7-.Ltmp5, $3  }
0xa2: {  	_ =	sdelay $0x1  }
0xa3: {  	s21 =	simm.s32 $0x1;
	s19 =	simm.s32 $0x0;
	s18 =	simm.s32 $0x0  }
0xa4: {  	s17 =	simm.s32 $0x0;
	s22 =	simm.s32 $0x1;
	s20 =	simm.s32 $0x0  }
.LBB2_4:
.Ltmp6:
0xa5: {  	(pc) =	sbr.rel .LBB2_7-.Ltmp6, $2  }
0xa6: {  	_ =	sdelay $0x2  }
0xa7: {  	s19 =	simm.s32 $0x0;
	s26 =	smov.u32 s31  }
.LBB2_8:
0xa8: {  	_ =	sfence.sel $0x180000  }
0xa9: {  	[bflag:$0x0] =	sbarrier.arrive $0xFFFF  }
0xaa: {  	_ =	strace $0x90000047  }
0xab: {  	s0 =	stileid.u32;
	[bflag:$0x2] =	sbarrier.arrive $0xFFFF  }
0xac: {  	p0 =	sne.s32 s0, $0x0;
	s0 =	rddreg [dreg:$0x3]  }
0xad: {  	s0 =	sadd.s32 @!p0 $0x100000, s0  }
0xae: {  	[sflag:s0] =	ssyncadd.tile.s32 @!p0 $0x1;
	_ =	shalt  }
.Lfunc_end2:
_tile_overlayer_lowered:
.L_overlay_start_2:
0xaf: {  	(tag) =	ssettag $0x2  }
0xb0: {  	s0 =	rddreg [dreg:$0x0];
	s2 =	stileid.u32  }
0xb1: {  	s1 =	rddreg [dreg:$0x1];
	p0 =	sne.s32 s2, $0x0  }
0xb2: {  	s3 =	rddreg [dreg:$0x2];
	[bflag:$0x3] =	sbarrier.arrive $0xFFFF;
	s2 =	simm.s32 @!p0 $0x1C01  }
0xb3: {  	[timem:s3], [sflag:s2] =	dma.local @!p0 [hbm:s0], s1  }
0xb4: {  	s0 =	simm.s32 @!p0 $0x1  }
0xb5: {  	_ =	swait.ge @!p0 [sflag:s0], s1  }
0xb6: {  	s1 =	ssub.s32 @!p0 $0x0, s1;
	[sflag:s0] =	ssyncset.done @!p0 $0x0  }
0xb7: {  	[sflag:s0] =	ssyncadd.s32 @!p0 s1  }
0xb8: {  	[bflag:$0x3] =	sbarrier.arrive $0xFFFF  }
0xb9: {  	_ =	shalt  }

</sc_bundles>
